<compile_context>
chip_gen: v7x
topology: tpu7x:2x2x1
jax: 0.10.2.dev20260603
libtpu: 0.0.44.dev20260713+nightly
codegen_flags: <defaults>
</compile_context>

<pallas_src>
import functools

import numpy as np

import jax
import jax.numpy as jnp
from jax import lax
from jax.experimental import pallas as pl
from jax.experimental.pallas import tpu as pltpu
from jax.experimental.pallas import tpu_sc as plsc

_RATIO = 0.75
_B, _T, _C = 256, 1024, 192
_R = int(_T * (1 - _RATIO))
_NC, _NS = 2, 16
_NW = _NC * _NS
_TCB = 64
_SCB = _B - _TCB
_BPW = _SCB // _NW
_CW = 16
_NWPB = _C // _CW
_NV = _BPW * _NWPB
_NRING = 4
_LANES = 16
_NG = _R // _LANES
_SCHED_ROWS = _BPW * _NG * _LANES // 128


def _build_schedule(fwd_np):
    srcs = np.sort(fwd_np[:, :_R], axis=1)
    order = np.argsort(fwd_np[:, :_R], axis=1)
    sched = np.zeros((_NW, _BPW, _NG, _LANES), dtype=np.int32)
    for wid in range(_NW):
        for bb in range(_BPW):
            b = wid * _BPW + bb
            packed = (srcs[b] | (order[b] << 10)).astype(np.int32)
            sched[wid, bb] = packed.reshape(_NG, _LANES)
    return sched.reshape(_NW, _SCHED_ROWS, 128)


def _body(table, sched_hbm, out, sched_v, stage, outb, ssem, psem):
    wid = lax.axis_index("s") * _NC + lax.axis_index("c")
    base_b = wid * _BPW
    pltpu.sync_copy(sched_hbm.at[wid], sched_v.at[0])

    def start_stage(bb, cw, slot):
        src = table.at[base_b + bb, pl.ds(cw * _CW, _CW), :]
        return pltpu.async_copy(src, stage.at[slot], ssem.at[slot])

    for vv in range(_NRING):
        start_stage(vv // _NWPB, vv % _NWPB, vv % _NRING)

    def wait_stage(slot):
        pltpu.make_async_copy(
            table.at[0, pl.ds(0, _CW), :], stage.at[slot],
            ssem.at[slot]).wait()

    def wait_put():
        pltpu.make_async_copy(outb.at[0], out.at[0], psem).wait()

    zero16 = jnp.zeros((_LANES,), jnp.int32)

    def window(vv, carry):
        bb = vv // _NWPB
        cw = lax.rem(vv, _NWPB)
        slot = lax.rem(vv, _NRING)
        slot_v = zero16 + slot
        cbase = zero16 + cw * _CW
        wait_stage(slot)
        @pl.when(jnp.logical_and(cw == 0, vv > 0))
        def _():
            wait_put()

        def group(gg, c2):
            e = (bb * _NG + gg) * _LANES
            vg = sched_v[0, lax.div(e, 128), pl.ds(lax.rem(e, 128), _LANES)]
            src = lax.bitwise_and(vg, 1023)
            dst = lax.shift_right_logical(vg, 10)
            cl = [zero16]
            cg = [cbase]
            for _ in range(_CW - 1):
                cl.append(cl[-1] + 1)
                cg.append(cg[-1] + 1)
            xs = [plsc.load_gather(stage, [slot_v, c, src]) for c in cl]
            for c, x in zip(cg, xs):
                plsc.store_scatter(outb, [zero16, c, dst], x)
            return c2

        lax.fori_loop(0, _NG, group, 0, unroll=False)

        @pl.when(vv + _NRING < _NV)
        def _():
            nxt = vv + _NRING
            start_stage(nxt // _NWPB, lax.rem(nxt, _NWPB), slot)

        @pl.when(cw == _NWPB - 1)
        def _():
            pltpu.async_copy(outb.at[0], out.at[base_b + bb], psem)
        return carry

    lax.fori_loop(0, _NV, window, 0, unroll=False)
    wait_put()


_gather = functools.partial(
    pl.kernel,
    out_type=jax.ShapeDtypeStruct((_B, _C, _R), jnp.float32),
    mesh=plsc.VectorSubcoreMesh(core_axis_name="c", subcore_axis_name="s"),
    scratch_types=[
        pltpu.VMEM((1, _SCHED_ROWS, 128), jnp.int32),
        pltpu.VMEM((_NRING, _CW, _T), jnp.float32),
        pltpu.VMEM((1, _C, _R), jnp.float32),
        pltpu.SemaphoreType.DMA((_NRING,)),
        pltpu.SemaphoreType.DMA,
    ],
    compiler_params=pltpu.CompilerParams(needs_layout_passes=False),
)(_body)


def _tc_body(idx_ref, in_ref, o_ref):
    idx = idx_ref[0, 0, :]
    ts = lax.broadcasted_iota(jnp.int32, (_T, _R), 0)
    onehot = (ts == idx[None, :]).astype(jnp.float32)
    o_ref[0] = jnp.dot(in_ref[0], onehot,
                       preferred_element_type=jnp.float32)


_tc_gather = pl.pallas_call(
    _tc_body,
    grid=(_TCB,),
    in_specs=[
        pl.BlockSpec((1, 1, _R), lambda i: (i, 0, 0)),
        pl.BlockSpec((1, _C, _T), lambda i: (_SCB + i, 0, 0)),
    ],
    out_specs=pl.BlockSpec((1, _C, _R), lambda i: (i, 0, 0)),
    out_shape=jax.ShapeDtypeStruct((_TCB, _C, _R), jnp.float32),
)


def _perm_constants():
    import contextlib
    try:
        cpu_mesh = jax.sharding.Mesh(np.array(jax.devices("cpu")[:1]), ("_",))
        ctx = jax.set_mesh(cpu_mesh)
    except Exception:
        ctx = contextlib.nullcontext()
    with ctx:
        keys = jax.random.split(jax.random.key(42), _B)
        fwd = jax.vmap(lambda k: jax.random.permutation(k, _T))(keys).astype(
            jnp.int64)
        bwd = jnp.argsort(fwd, axis=1)
    return np.asarray(fwd), np.asarray(bwd)


_FWD_NP, _BWD_NP = _perm_constants()
_CACHE = []


def kernel(patches):
    if not _CACHE:
        tc_idx = _FWD_NP[_SCB:, :_R].reshape(_TCB, 1, _R).astype(np.int32)
        _CACHE.append((jnp.asarray(_build_schedule(_FWD_NP)),
                       jnp.asarray(tc_idx)))
    sched, tc_idx = _CACHE[0]
    table = jnp.swapaxes(patches, 1, 2)
    sc_out = _gather(table, sched)
    tc_out = _tc_gather(tc_idx, table)
    out_t = lax.dynamic_update_slice(sc_out, tc_out, (_SCB, 0, 0))
    return (jnp.swapaxes(out_t, 1, 2),
            jnp.asarray(_FWD_NP), jnp.asarray(_BWD_NP))

# --- scband reference (transcript-rebuilt; emitter-appended) ---
"""Pipeline reference for scband-patch-shuffle-3453153706572 (READ-ONLY COPY).

The authoritative reference and input builder live on the scoring server;
editing this copy changes nothing except your own understanding.
"""

import jax, jax.numpy as jnp
import numpy as np

RATIO = 0.75

def setup_inputs(seed: int = 0) -> dict:
    key = jax.random.key(seed)
    patches = jax.random.normal(key, (256, 1024, 192), dtype=jnp.float32)
    return {"patches": patches}

def reference(patches):
    B, T, C = patches.shape
    remain_T = int(T * (1 - RATIO))
    # per-sample random permutation (torch code uses np.random.shuffle per batch element;
    # here we use a fixed jax PRNG for determinism)
    perm_key = jax.random.key(42)
    keys = jax.random.split(perm_key, B)
    forward_indexes = jax.vmap(lambda k: jax.random.permutation(k, T))(keys).astype(jnp.int64)
    backward_indexes = jnp.argsort(forward_indexes, axis=1)
    # take_indexes: gather along T with indexes broadcast over channel dim
    shuffled = jnp.take_along_axis(patches, forward_indexes[:, :, None], axis=1)
    out = shuffled[:, :remain_T]
    return (out, forward_indexes, backward_indexes)

if __name__ == "__main__":
    import jax
    _d = setup_inputs()
    print(jax.jit(kernel)(*tuple(_d.values())))

</pallas_src>

<mosaic_0001>
#map = affine_map<(d0, d1) -> (0, 0, 0)>
module attributes {stable_mosaic.version = 14 : i64} {
  func.func @_body(%arg0: i32, %arg1: i32, %arg2: memref<256x192x1024xf32, #tpu.memory_space<hbm>>, %arg3: memref<32x12x128xi32, #tpu.memory_space<hbm>>, %arg4: memref<256x192x256xf32, #tpu.memory_space<hbm>>, %arg5: memref<1x12x128xi32, #tpu.memory_space<vmem>>, %arg6: memref<4x16x1024xf32, #tpu.memory_space<vmem>>, %arg7: memref<1x192x256xf32, #tpu.memory_space<vmem>>, %arg8: memref<4x!tpu.dma_semaphore, #tpu.memory_space<semaphore_mem>>, %arg9: memref<!tpu.dma_semaphore, #tpu.memory_space<semaphore_mem>>) attributes {dimension_semantics = [#tpu.dimension_semantics<core_parallel>, #tpu.dimension_semantics<subcore_parallel>], iteration_bounds = array<i64: 2, 16>, scalar_prefetch = 0 : i64, scratch_operands = 5 : i64, tpu.core_type = #tpu.core_type<sc_vector_subcore>, window_params = [{transform_indices = #map}, {transform_indices = #map}, {transform_indices = #map}]} {
    %mul3A = arith.constant 2 : i32
    %mul3A_0 = arith.muli %arg1, %mul3A : i32
    %add3A = arith.addi %mul3A_0, %arg0 : i32
    %mul3A_1 = arith.constant 6 : i32
    %mul3A_2 = arith.muli %add3A, %mul3A_1 : i32
    %run_scoped3A = arith.constant 0 : i32
    "tpu.region"() ({
      %run_scoped3A_113 = tpu.sem_alloc : memref<!tpu.dma_semaphore, #tpu.memory_space<semaphore_mem>>
      %dma_start3A_114 = arith.constant 0 : i32
      %dma_start3A_115 = arith.constant 0 : i32
      %dma_start3A_116 = tpu.memref_slice %arg5[%run_scoped3A, %dma_start3A_114, %dma_start3A_115] : memref<1x12x128xi32, #tpu.memory_space<vmem>> -> memref<1x12x128xi32, #tpu.memory_space<vmem>>
      %dma_start3A_117 = tpu.memref_squeeze %dma_start3A_116 : memref<1x12x128xi32, #tpu.memory_space<vmem>> -> memref<12x128xi32, #tpu.memory_space<vmem>>
      %dma_start3A_118 = arith.constant 0 : i32
      %dma_start3A_119 = arith.constant 0 : i32
      %dma_start3A_120 = tpu.memref_slice %arg3[%add3A, %dma_start3A_118, %dma_start3A_119] : memref<32x12x128xi32, #tpu.memory_space<hbm>> -> memref<1x12x128xi32, #tpu.memory_space<hbm>>
      %dma_start3A_121 = tpu.memref_squeeze %dma_start3A_120 : memref<1x12x128xi32, #tpu.memory_space<hbm>> -> memref<12x128xi32, #tpu.memory_space<hbm>>
      %dma_start3A_122 = arith.constant 0 : i32
      %dma_start3A_123 = arith.constant 0 : i32
      %dma_start3A_124 = tpu.memref_slice %arg5[%run_scoped3A, %dma_start3A_122, %dma_start3A_123] : memref<1x12x128xi32, #tpu.memory_space<vmem>> -> memref<1x12x128xi32, #tpu.memory_space<vmem>>
      %dma_start3A_125 = tpu.memref_squeeze %dma_start3A_124 : memref<1x12x128xi32, #tpu.memory_space<vmem>> -> memref<12x128xi32, #tpu.memory_space<vmem>>
      %dma_start3A_126 = arith.constant 0 : i32
      %dma_start3A_127 = arith.constant 0 : i32
      %dma_start3A_128 = tpu.memref_slice %arg3[%add3A, %dma_start3A_126, %dma_start3A_127] : memref<32x12x128xi32, #tpu.memory_space<hbm>> -> memref<1x12x128xi32, #tpu.memory_space<hbm>>
      %dma_start3A_129 = tpu.memref_squeeze %dma_start3A_128 : memref<1x12x128xi32, #tpu.memory_space<hbm>> -> memref<12x128xi32, #tpu.memory_space<hbm>>
      tpu.enqueue_dma source(%dma_start3A_129 : memref<12x128xi32, #tpu.memory_space<hbm>>) target(%dma_start3A_125 : memref<12x128xi32, #tpu.memory_space<vmem>>) target_semaphore(%run_scoped3A_113 : memref<!tpu.dma_semaphore, #tpu.memory_space<semaphore_mem>>)
      %dma_wait3A_130 = arith.constant 0 : i32
      %dma_wait3A_131 = arith.constant 0 : i32
      %dma_wait3A_132 = tpu.memref_slice %arg5[%run_scoped3A, %dma_wait3A_130, %dma_wait3A_131] : memref<1x12x128xi32, #tpu.memory_space<vmem>> -> memref<1x12x128xi32, #tpu.memory_space<vmem>>
      %dma_wait3A_133 = tpu.memref_squeeze %dma_wait3A_132 : memref<1x12x128xi32, #tpu.memory_space<vmem>> -> memref<12x128xi32, #tpu.memory_space<vmem>>
      %dma_wait3A_134 = arith.constant 0 : i32
      %dma_wait3A_135 = arith.constant 0 : i32
      %dma_wait3A_136 = tpu.memref_slice %arg3[%add3A, %dma_wait3A_134, %dma_wait3A_135] : memref<32x12x128xi32, #tpu.memory_space<hbm>> -> memref<1x12x128xi32, #tpu.memory_space<hbm>>
      %dma_wait3A_137 = tpu.memref_squeeze %dma_wait3A_136 : memref<1x12x128xi32, #tpu.memory_space<hbm>> -> memref<12x128xi32, #tpu.memory_space<hbm>>
      %dma_wait3A_138 = arith.constant 0 : i32
      %dma_wait3A_139 = arith.constant 0 : i32
      %dma_wait3A_140 = tpu.memref_slice %arg5[%run_scoped3A, %dma_wait3A_138, %dma_wait3A_139] : memref<1x12x128xi32, #tpu.memory_space<vmem>> -> memref<1x12x128xi32, #tpu.memory_space<vmem>>
      %dma_wait3A_141 = tpu.memref_squeeze %dma_wait3A_140 : memref<1x12x128xi32, #tpu.memory_space<vmem>> -> memref<12x128xi32, #tpu.memory_space<vmem>>
      %dma_wait3A_142 = arith.constant 0 : i32
      %dma_wait3A_143 = arith.constant 0 : i32
      %dma_wait3A_144 = tpu.memref_slice %arg3[%add3A, %dma_wait3A_142, %dma_wait3A_143] : memref<32x12x128xi32, #tpu.memory_space<hbm>> -> memref<1x12x128xi32, #tpu.memory_space<hbm>>
      %dma_wait3A_145 = tpu.memref_squeeze %dma_wait3A_144 : memref<1x12x128xi32, #tpu.memory_space<hbm>> -> memref<12x128xi32, #tpu.memory_space<hbm>>
      tpu.wait_dma2 semaphore(%run_scoped3A_113 : memref<!tpu.dma_semaphore, #tpu.memory_space<semaphore_mem>>) src(%dma_wait3A_145 : memref<12x128xi32, #tpu.memory_space<hbm>>) dst(%dma_wait3A_141 : memref<12x128xi32, #tpu.memory_space<vmem>>)
      tpu.yield
    }) : () -> ()
    %add3A_3 = arith.constant 0 : i32
    %add3A_4 = arith.addi %mul3A_2, %add3A_3 : i32
    %dma_start3A = arith.constant 0 : i32
    %dma_start3A_5 = arith.constant 0 : i32
    %dma_start3A_6 = arith.constant 0 : i32
    %dma_start3A_7 = arith.constant 0 : i32
    %dma_start3A_8 = tpu.memref_slice %arg6[%dma_start3A, %dma_start3A_6, %dma_start3A_7] : memref<4x16x1024xf32, #tpu.memory_space<vmem>> -> memref<1x16x1024xf32, #tpu.memory_space<vmem>>
    %dma_start3A_9 = tpu.memref_squeeze %dma_start3A_8 : memref<1x16x1024xf32, #tpu.memory_space<vmem>> -> memref<16x1024xf32, #tpu.memory_space<vmem>>
    %dma_start3A_10 = arith.constant 0 : i32
    %dma_start3A_11 = arith.constant 0 : i32
    %dma_start3A_12 = tpu.memref_slice %arg2[%add3A_4, %dma_start3A_10, %dma_start3A_11] : memref<256x192x1024xf32, #tpu.memory_space<hbm>> -> memref<1x16x1024xf32, #tpu.memory_space<hbm>>
    %dma_start3A_13 = tpu.memref_squeeze %dma_start3A_12 : memref<1x16x1024xf32, #tpu.memory_space<hbm>> -> memref<16x1024xf32, #tpu.memory_space<hbm>>
    %dma_start3A_14 = tpu.memref_slice %arg8[%dma_start3A_5] : memref<4x!tpu.dma_semaphore, #tpu.memory_space<semaphore_mem>> -> memref<1x!tpu.dma_semaphore, #tpu.memory_space<semaphore_mem>>
    %dma_start3A_15 = tpu.memref_squeeze %dma_start3A_14 : memref<1x!tpu.dma_semaphore, #tpu.memory_space<semaphore_mem>> -> memref<!tpu.dma_semaphore, #tpu.memory_space<semaphore_mem>>
    %dma_start3A_16 = arith.constant 0 : i32
    %dma_start3A_17 = arith.constant 0 : i32
    %dma_start3A_18 = tpu.memref_slice %arg6[%dma_start3A, %dma_start3A_16, %dma_start3A_17] : memref<4x16x1024xf32, #tpu.memory_space<vmem>> -> memref<1x16x1024xf32, #tpu.memory_space<vmem>>
    %dma_start3A_19 = tpu.memref_squeeze %dma_start3A_18 : memref<1x16x1024xf32, #tpu.memory_space<vmem>> -> memref<16x1024xf32, #tpu.memory_space<vmem>>
    %dma_start3A_20 = arith.constant 0 : i32
    %dma_start3A_21 = arith.constant 0 : i32
    %dma_start3A_22 = tpu.memref_slice %arg2[%add3A_4, %dma_start3A_20, %dma_start3A_21] : memref<256x192x1024xf32, #tpu.memory_space<hbm>> -> memref<1x16x1024xf32, #tpu.memory_space<hbm>>
    %dma_start3A_23 = tpu.memref_squeeze %dma_start3A_22 : memref<1x16x1024xf32, #tpu.memory_space<hbm>> -> memref<16x1024xf32, #tpu.memory_space<hbm>>
    tpu.enqueue_dma source(%dma_start3A_23 : memref<16x1024xf32, #tpu.memory_space<hbm>>) target(%dma_start3A_19 : memref<16x1024xf32, #tpu.memory_space<vmem>>) target_semaphore(%dma_start3A_15 : memref<!tpu.dma_semaphore, #tpu.memory_space<semaphore_mem>>)
    %add3A_24 = arith.constant 0 : i32
    %add3A_25 = arith.addi %mul3A_2, %add3A_24 : i32
    %dma_start3A_26 = arith.constant 1 : i32
    %dma_start3A_27 = arith.constant 1 : i32
    %dma_start3A_28 = arith.constant 0 : i32
    %dma_start3A_29 = arith.constant 0 : i32
    %dma_start3A_30 = tpu.memref_slice %arg6[%dma_start3A_26, %dma_start3A_28, %dma_start3A_29] : memref<4x16x1024xf32, #tpu.memory_space<vmem>> -> memref<1x16x1024xf32, #tpu.memory_space<vmem>>
    %dma_start3A_31 = tpu.memref_squeeze %dma_start3A_30 : memref<1x16x1024xf32, #tpu.memory_space<vmem>> -> memref<16x1024xf32, #tpu.memory_space<vmem>>
    %dma_start3A_32 = arith.constant 16 : i32
    %dma_start3A_33 = arith.constant 0 : i32
    %dma_start3A_34 = tpu.memref_slice %arg2[%add3A_25, %dma_start3A_32, %dma_start3A_33] : memref<256x192x1024xf32, #tpu.memory_space<hbm>> -> memref<1x16x1024xf32, #tpu.memory_space<hbm>>
    %dma_start3A_35 = tpu.memref_squeeze %dma_start3A_34 : memref<1x16x1024xf32, #tpu.memory_space<hbm>> -> memref<16x1024xf32, #tpu.memory_space<hbm>>
    %dma_start3A_36 = tpu.memref_slice %arg8[%dma_start3A_27] : memref<4x!tpu.dma_semaphore, #tpu.memory_space<semaphore_mem>> -> memref<1x!tpu.dma_semaphore, #tpu.memory_space<semaphore_mem>>
    %dma_start3A_37 = tpu.memref_squeeze %dma_start3A_36 : memref<1x!tpu.dma_semaphore, #tpu.memory_space<semaphore_mem>> -> memref<!tpu.dma_semaphore, #tpu.memory_space<semaphore_mem>>
    %dma_start3A_38 = arith.constant 0 : i32
    %dma_start3A_39 = arith.constant 0 : i32
    %dma_start3A_40 = tpu.memref_slice %arg6[%dma_start3A_26, %dma_start3A_38, %dma_start3A_39] : memref<4x16x1024xf32, #tpu.memory_space<vmem>> -> memref<1x16x1024xf32, #tpu.memory_space<vmem>>
    %dma_start3A_41 = tpu.memref_squeeze %dma_start3A_40 : memref<1x16x1024xf32, #tpu.memory_space<vmem>> -> memref<16x1024xf32, #tpu.memory_space<vmem>>
    %dma_start3A_42 = arith.constant 16 : i32
    %dma_start3A_43 = arith.constant 0 : i32
    %dma_start3A_44 = tpu.memref_slice %arg2[%add3A_25, %dma_start3A_42, %dma_start3A_43] : memref<256x192x1024xf32, #tpu.memory_space<hbm>> -> memref<1x16x1024xf32, #tpu.memory_space<hbm>>
    %dma_start3A_45 = tpu.memref_squeeze %dma_start3A_44 : memref<1x16x1024xf32, #tpu.memory_space<hbm>> -> memref<16x1024xf32, #tpu.memory_space<hbm>>
    tpu.enqueue_dma source(%dma_start3A_45 : memref<16x1024xf32, #tpu.memory_space<hbm>>) target(%dma_start3A_41 : memref<16x1024xf32, #tpu.memory_space<vmem>>) target_semaphore(%dma_start3A_37 : memref<!tpu.dma_semaphore, #tpu.memory_space<semaphore_mem>>)
    %add3A_46 = arith.constant 0 : i32
    %add3A_47 = arith.addi %mul3A_2, %add3A_46 : i32
    %dma_start3A_48 = arith.constant 2 : i32
    %dma_start3A_49 = arith.constant 2 : i32
    %dma_start3A_50 = arith.constant 0 : i32
    %dma_start3A_51 = arith.constant 0 : i32
    %dma_start3A_52 = tpu.memref_slice %arg6[%dma_start3A_48, %dma_start3A_50, %dma_start3A_51] : memref<4x16x1024xf32, #tpu.memory_space<vmem>> -> memref<1x16x1024xf32, #tpu.memory_space<vmem>>
    %dma_start3A_53 = tpu.memref_squeeze %dma_start3A_52 : memref<1x16x1024xf32, #tpu.memory_space<vmem>> -> memref<16x1024xf32, #tpu.memory_space<vmem>>
    %dma_start3A_54 = arith.constant 32 : i32
    %dma_start3A_55 = arith.constant 0 : i32
    %dma_start3A_56 = tpu.memref_slice %arg2[%add3A_47, %dma_start3A_54, %dma_start3A_55] : memref<256x192x1024xf32, #tpu.memory_space<hbm>> -> memref<1x16x1024xf32, #tpu.memory_space<hbm>>
    %dma_start3A_57 = tpu.memref_squeeze %dma_start3A_56 : memref<1x16x1024xf32, #tpu.memory_space<hbm>> -> memref<16x1024xf32, #tpu.memory_space<hbm>>
    %dma_start3A_58 = tpu.memref_slice %arg8[%dma_start3A_49] : memref<4x!tpu.dma_semaphore, #tpu.memory_space<semaphore_mem>> -> memref<1x!tpu.dma_semaphore, #tpu.memory_space<semaphore_mem>>
    %dma_start3A_59 = tpu.memref_squeeze %dma_start3A_58 : memref<1x!tpu.dma_semaphore, #tpu.memory_space<semaphore_mem>> -> memref<!tpu.dma_semaphore, #tpu.memory_space<semaphore_mem>>
    %dma_start3A_60 = arith.constant 0 : i32
    %dma_start3A_61 = arith.constant 0 : i32
    %dma_start3A_62 = tpu.memref_slice %arg6[%dma_start3A_48, %dma_start3A_60, %dma_start3A_61] : memref<4x16x1024xf32, #tpu.memory_space<vmem>> -> memref<1x16x1024xf32, #tpu.memory_space<vmem>>
    %dma_start3A_63 = tpu.memref_squeeze %dma_start3A_62 : memref<1x16x1024xf32, #tpu.memory_space<vmem>> -> memref<16x1024xf32, #tpu.memory_space<vmem>>
    %dma_start3A_64 = arith.constant 32 : i32
    %dma_start3A_65 = arith.constant 0 : i32
    %dma_start3A_66 = tpu.memref_slice %arg2[%add3A_47, %dma_start3A_64, %dma_start3A_65] : memref<256x192x1024xf32, #tpu.memory_space<hbm>> -> memref<1x16x1024xf32, #tpu.memory_space<hbm>>
    %dma_start3A_67 = tpu.memref_squeeze %dma_start3A_66 : memref<1x16x1024xf32, #tpu.memory_space<hbm>> -> memref<16x1024xf32, #tpu.memory_space<hbm>>
    tpu.enqueue_dma source(%dma_start3A_67 : memref<16x1024xf32, #tpu.memory_space<hbm>>) target(%dma_start3A_63 : memref<16x1024xf32, #tpu.memory_space<vmem>>) target_semaphore(%dma_start3A_59 : memref<!tpu.dma_semaphore, #tpu.memory_space<semaphore_mem>>)
    %add3A_68 = arith.constant 0 : i32
    %add3A_69 = arith.addi %mul3A_2, %add3A_68 : i32
    %dma_start3A_70 = arith.constant 3 : i32
    %dma_start3A_71 = arith.constant 3 : i32
    %dma_start3A_72 = arith.constant 0 : i32
    %dma_start3A_73 = arith.constant 0 : i32
    %dma_start3A_74 = tpu.memref_slice %arg6[%dma_start3A_70, %dma_start3A_72, %dma_start3A_73] : memref<4x16x1024xf32, #tpu.memory_space<vmem>> -> memref<1x16x1024xf32, #tpu.memory_space<vmem>>
    %dma_start3A_75 = tpu.memref_squeeze %dma_start3A_74 : memref<1x16x1024xf32, #tpu.memory_space<vmem>> -> memref<16x1024xf32, #tpu.memory_space<vmem>>
    %dma_start3A_76 = arith.constant 48 : i32
    %dma_start3A_77 = arith.constant 0 : i32
    %dma_start3A_78 = tpu.memref_slice %arg2[%add3A_69, %dma_start3A_76, %dma_start3A_77] : memref<256x192x1024xf32, #tpu.memory_space<hbm>> -> memref<1x16x1024xf32, #tpu.memory_space<hbm>>
    %dma_start3A_79 = tpu.memref_squeeze %dma_start3A_78 : memref<1x16x1024xf32, #tpu.memory_space<hbm>> -> memref<16x1024xf32, #tpu.memory_space<hbm>>
    %dma_start3A_80 = tpu.memref_slice %arg8[%dma_start3A_71] : memref<4x!tpu.dma_semaphore, #tpu.memory_space<semaphore_mem>> -> memref<1x!tpu.dma_semaphore, #tpu.memory_space<semaphore_mem>>
    %dma_start3A_81 = tpu.memref_squeeze %dma_start3A_80 : memref<1x!tpu.dma_semaphore, #tpu.memory_space<semaphore_mem>> -> memref<!tpu.dma_semaphore, #tpu.memory_space<semaphore_mem>>
    %dma_start3A_82 = arith.constant 0 : i32
    %dma_start3A_83 = arith.constant 0 : i32
    %dma_start3A_84 = tpu.memref_slice %arg6[%dma_start3A_70, %dma_start3A_82, %dma_start3A_83] : memref<4x16x1024xf32, #tpu.memory_space<vmem>> -> memref<1x16x1024xf32, #tpu.memory_space<vmem>>
    %dma_start3A_85 = tpu.memref_squeeze %dma_start3A_84 : memref<1x16x1024xf32, #tpu.memory_space<vmem>> -> memref<16x1024xf32, #tpu.memory_space<vmem>>
    %dma_start3A_86 = arith.constant 48 : i32
    %dma_start3A_87 = arith.constant 0 : i32
    %dma_start3A_88 = tpu.memref_slice %arg2[%add3A_69, %dma_start3A_86, %dma_start3A_87] : memref<256x192x1024xf32, #tpu.memory_space<hbm>> -> memref<1x16x1024xf32, #tpu.memory_space<hbm>>
    %dma_start3A_89 = tpu.memref_squeeze %dma_start3A_88 : memref<1x16x1024xf32, #tpu.memory_space<hbm>> -> memref<16x1024xf32, #tpu.memory_space<hbm>>
    tpu.enqueue_dma source(%dma_start3A_89 : memref<16x1024xf32, #tpu.memory_space<hbm>>) target(%dma_start3A_85 : memref<16x1024xf32, #tpu.memory_space<vmem>>) target_semaphore(%dma_start3A_81 : memref<!tpu.dma_semaphore, #tpu.memory_space<semaphore_mem>>)
    %broadcast_in_dim3A = arith.constant 0 : i32
    %broadcast_in_dim3A_90 = vector.broadcast %broadcast_in_dim3A : i32 to vector<16xi32>
    %scan3A = arith.constant 0 : i32
    %scan3A_91 = arith.constant 0 : i32
    %scan3A_92 = arith.constant 72 : i32
    %scan3A_93 = arith.addi %scan3A_91, %scan3A_92 : i32
    %scan3A_94 = arith.constant 1 : i32
    scf.for %scan3A_113 = %scan3A_91 to %scan3A_93 step %scan3A_94  : i32 {
      %jit3A = arith.constant 12 : i32
      %div3A = arith.divsi %scan3A_113, %jit3A : i32
      %sign3A = arith.constant 0 : i32
      %sign3A_114 = arith.cmpi sgt, %scan3A_113, %sign3A : i32
      %sign3A_115 = arith.extui %sign3A_114 : i1 to i32
      %sign3A_116 = arith.constant 0 : i32
      %sign3A_117 = arith.cmpi slt, %scan3A_113, %sign3A_116 : i32
      %sign3A_118 = arith.extui %sign3A_117 : i1 to i32
      %sign3A_119 = arith.subi %sign3A_115, %sign3A_118 : i32
      %sign3A_120 = arith.constant 0 : i32
      %sign3A_121 = arith.cmpi sgt, %jit3A, %sign3A_120 : i32
      %sign3A_122 = arith.extui %sign3A_121 : i1 to i32
      %sign3A_123 = arith.constant 0 : i32
      %sign3A_124 = arith.cmpi slt, %jit3A, %sign3A_123 : i32
      %sign3A_125 = arith.extui %sign3A_124 : i1 to i32
      %sign3A_126 = arith.subi %sign3A_122, %sign3A_125 : i32
      %ne3A = arith.cmpi ne, %sign3A_119, %sign3A_126 : i32
      %rem3A = arith.remsi %scan3A_113, %jit3A : i32
      %ne3A_127 = arith.constant 0 : i32
      %ne3A_128 = arith.cmpi ne, %rem3A, %ne3A_127 : i32
      %and3A = arith.andi %ne3A, %ne3A_128 : i1
      %sub3A = arith.constant 1 : i32
      %sub3A_129 = arith.subi %div3A, %sub3A : i32
      %select_n3A = arith.select %and3A, %sub3A_129, %div3A : i32
      %rem3A_130 = arith.constant 12 : i32
      %rem3A_131 = arith.remsi %scan3A_113, %rem3A_130 : i32
      %rem3A_132 = arith.constant 4 : i32
      %rem3A_133 = arith.remsi %scan3A_113, %rem3A_132 : i32
      %add3A_134 = vector.broadcast %rem3A_133 : i32 to vector<16xi32>
      %add3A_135 = arith.addi %broadcast_in_dim3A_90, %add3A_134 : vector<16xi32>
      %mul3A_136 = arith.constant 16 : i32
      %mul3A_137 = arith.muli %rem3A_131, %mul3A_136 : i32
      %add3A_138 = vector.broadcast %mul3A_137 : i32 to vector<16xi32>
      %add3A_139 = arith.addi %broadcast_in_dim3A_90, %add3A_138 : vector<16xi32>
      %dma_wait3A_140 = arith.constant 0 : i32
      %dma_wait3A_141 = arith.constant 0 : i32
      %dma_wait3A_142 = arith.constant 0 : i32
      %dma_wait3A_143 = tpu.memref_slice %arg6[%rem3A_133, %dma_wait3A_141, %dma_wait3A_142] : memref<4x16x1024xf32, #tpu.memory_space<vmem>> -> memref<1x16x1024xf32, #tpu.memory_space<vmem>>
      %dma_wait3A_144 = tpu.memref_squeeze %dma_wait3A_143 : memref<1x16x1024xf32, #tpu.memory_space<vmem>> -> memref<16x1024xf32, #tpu.memory_space<vmem>>
      %dma_wait3A_145 = arith.constant 0 : i32
      %dma_wait3A_146 = arith.constant 0 : i32
      %dma_wait3A_147 = tpu.memref_slice %arg2[%dma_wait3A_140, %dma_wait3A_145, %dma_wait3A_146] : memref<256x192x1024xf32, #tpu.memory_space<hbm>> -> memref<1x16x1024xf32, #tpu.memory_space<hbm>>
      %dma_wait3A_148 = tpu.memref_squeeze %dma_wait3A_147 : memref<1x16x1024xf32, #tpu.memory_space<hbm>> -> memref<16x1024xf32, #tpu.memory_space<hbm>>
      %dma_wait3A_149 = tpu.memref_slice %arg8[%rem3A_133] : memref<4x!tpu.dma_semaphore, #tpu.memory_space<semaphore_mem>> -> memref<1x!tpu.dma_semaphore, #tpu.memory_space<semaphore_mem>>
      %dma_wait3A_150 = tpu.memref_squeeze %dma_wait3A_149 : memref<1x!tpu.dma_semaphore, #tpu.memory_space<semaphore_mem>> -> memref<!tpu.dma_semaphore, #tpu.memory_space<semaphore_mem>>
      %dma_wait3A_151 = arith.constant 0 : i32
      %dma_wait3A_152 = arith.constant 0 : i32
      %dma_wait3A_153 = tpu.memref_slice %arg6[%rem3A_133, %dma_wait3A_151, %dma_wait3A_152] : memref<4x16x1024xf32, #tpu.memory_space<vmem>> -> memref<1x16x1024xf32, #tpu.memory_space<vmem>>
      %dma_wait3A_154 = tpu.memref_squeeze %dma_wait3A_153 : memref<1x16x1024xf32, #tpu.memory_space<vmem>> -> memref<16x1024xf32, #tpu.memory_space<vmem>>
      %dma_wait3A_155 = arith.constant 0 : i32
      %dma_wait3A_156 = arith.constant 0 : i32
      %dma_wait3A_157 = tpu.memref_slice %arg2[%dma_wait3A_140, %dma_wait3A_155, %dma_wait3A_156] : memref<256x192x1024xf32, #tpu.memory_space<hbm>> -> memref<1x16x1024xf32, #tpu.memory_space<hbm>>
      %dma_wait3A_158 = tpu.memref_squeeze %dma_wait3A_157 : memref<1x16x1024xf32, #tpu.memory_space<hbm>> -> memref<16x1024xf32, #tpu.memory_space<hbm>>
      tpu.wait_dma2 semaphore(%dma_wait3A_150 : memref<!tpu.dma_semaphore, #tpu.memory_space<semaphore_mem>>) src(%dma_wait3A_158 : memref<16x1024xf32, #tpu.memory_space<hbm>>) dst(%dma_wait3A_154 : memref<16x1024xf32, #tpu.memory_space<vmem>>)
      %eq3A = arith.constant 0 : i32
      %eq3A_159 = arith.cmpi eq, %rem3A_131, %eq3A : i32
      %gt3A = arith.constant 0 : i32
      %gt3A_160 = arith.cmpi sgt, %scan3A_113, %gt3A : i32
      %and3A_161 = arith.andi %eq3A_159, %gt3A_160 : i1
      %convert_element_type3A = arith.extui %and3A_161 : i1 to i32
      %cond3A = arith.constant 0 : i32
      %cond3A_162 = arith.cmpi ne, %convert_element_type3A, %cond3A : i32
      scf.if %cond3A_162 {
        %dma_wait3A_180 = arith.constant 0 : i32
        %dma_wait3A_181 = arith.constant 0 : i32
        %dma_wait3A_182 = arith.constant 0 : i32
        %dma_wait3A_183 = arith.constant 0 : i32
        %dma_wait3A_184 = tpu.memref_slice %arg7[%dma_wait3A_180, %dma_wait3A_182, %dma_wait3A_183] : memref<1x192x256xf32, #tpu.memory_space<vmem>> -> memref<1x192x256xf32, #tpu.memory_space<vmem>>
        %dma_wait3A_185 = tpu.memref_squeeze %dma_wait3A_184 : memref<1x192x256xf32, #tpu.memory_space<vmem>> -> memref<192x256xf32, #tpu.memory_space<vmem>>
        %dma_wait3A_186 = arith.constant 0 : i32
        %dma_wait3A_187 = arith.constant 0 : i32
        %dma_wait3A_188 = tpu.memref_slice %arg4[%dma_wait3A_181, %dma_wait3A_186, %dma_wait3A_187] : memref<256x192x256xf32, #tpu.memory_space<hbm>> -> memref<1x192x256xf32, #tpu.memory_space<hbm>>
        %dma_wait3A_189 = tpu.memref_squeeze %dma_wait3A_188 : memref<1x192x256xf32, #tpu.memory_space<hbm>> -> memref<192x256xf32, #tpu.memory_space<hbm>>
        %dma_wait3A_190 = arith.constant 0 : i32
        %dma_wait3A_191 = arith.constant 0 : i32
        %dma_wait3A_192 = tpu.memref_slice %arg4[%dma_wait3A_181, %dma_wait3A_190, %dma_wait3A_191] : memref<256x192x256xf32, #tpu.memory_space<hbm>> -> memref<1x192x256xf32, #tpu.memory_space<hbm>>
        %dma_wait3A_193 = tpu.memref_squeeze %dma_wait3A_192 : memref<1x192x256xf32, #tpu.memory_space<hbm>> -> memref<192x256xf32, #tpu.memory_space<hbm>>
        %dma_wait3A_194 = arith.constant 0 : i32
        %dma_wait3A_195 = arith.constant 0 : i32
        %dma_wait3A_196 = tpu.memref_slice %arg7[%dma_wait3A_180, %dma_wait3A_194, %dma_wait3A_195] : memref<1x192x256xf32, #tpu.memory_space<vmem>> -> memref<1x192x256xf32, #tpu.memory_space<vmem>>
        %dma_wait3A_197 = tpu.memref_squeeze %dma_wait3A_196 : memref<1x192x256xf32, #tpu.memory_space<vmem>> -> memref<192x256xf32, #tpu.memory_space<vmem>>
        tpu.wait_dma2 semaphore(%arg9 : memref<!tpu.dma_semaphore, #tpu.memory_space<semaphore_mem>>) src(%dma_wait3A_197 : memref<192x256xf32, #tpu.memory_space<vmem>>) dst(%dma_wait3A_193 : memref<192x256xf32, #tpu.memory_space<hbm>>)
      } else {
      }
      %scan3A_163 = arith.constant 0 : i32
      %scan3A_164 = arith.constant 0 : i32
      %scan3A_165 = arith.constant 16 : i32
      %scan3A_166 = arith.addi %scan3A_164, %scan3A_165 : i32
      %scan3A_167 = arith.constant 1 : i32
      scf.for %scan3A_180 = %scan3A_164 to %scan3A_166 step %scan3A_167  : i32 {
        %mul3A_181 = arith.constant 16 : i32
        %mul3A_182 = arith.muli %select_n3A, %mul3A_181 : i32
        %add3A_183 = arith.addi %mul3A_182, %scan3A_180 : i32
        %mul3A_184 = arith.constant 16 : i32
        %mul3A_185 = arith.muli %add3A_183, %mul3A_184 : i32
        %div3A_186 = arith.constant 128 : i32
        %div3A_187 = arith.divsi %mul3A_185, %div3A_186 : i32
        %rem3A_188 = arith.constant 128 : i32
        %rem3A_189 = arith.remsi %mul3A_185, %rem3A_188 : i32
        %get3A = arith.constant 0 : i32
        %get3A_190 = arith.index_cast %get3A : i32 to index
        %get3A_191 = arith.index_cast %div3A_187 : i32 to index
        %get3A_192 = arith.index_cast %rem3A_189 : i32 to index
        %get3A_193 = tpu.vector_load %arg5[%get3A_190, %get3A_191, %get3A_192] {strides = array<i32>} : memref<1x12x128xi32, #tpu.memory_space<vmem>>, vector<16xi32>,
        %and3A_194 = arith.constant 1023 : i32
        %and3A_195 = vector.broadcast %and3A_194 : i32 to vector<16xi32>
        %and3A_196 = arith.andi %get3A_193, %and3A_195 : vector<16xi32>
        %shift_right_logical3A = arith.constant 10 : i32
        %shift_right_logical3A_197 = vector.broadcast %shift_right_logical3A : i32 to vector<16xi32>
        %shift_right_logical3A_198 = arith.shrui %get3A_193, %shift_right_logical3A_197 : vector<16xi32>
        %add3A_199 = arith.constant 1 : i32
        %add3A_200 = vector.broadcast %add3A_199 : i32 to vector<16xi32>
        %add3A_201 = arith.addi %broadcast_in_dim3A_90, %add3A_200 : vector<16xi32>
        %add3A_202 = arith.constant 1 : i32
        %add3A_203 = vector.broadcast %add3A_202 : i32 to vector<16xi32>
        %add3A_204 = arith.addi %add3A_139, %add3A_203 : vector<16xi32>
        %add3A_205 = arith.constant 1 : i32
        %add3A_206 = vector.broadcast %add3A_205 : i32 to vector<16xi32>
        %add3A_207 = arith.addi %add3A_201, %add3A_206 : vector<16xi32>
        %add3A_208 = arith.constant 1 : i32
        %add3A_209 = vector.broadcast %add3A_208 : i32 to vector<16xi32>
        %add3A_210 = arith.addi %add3A_204, %add3A_209 : vector<16xi32>
        %add3A_211 = arith.constant 1 : i32
        %add3A_212 = vector.broadcast %add3A_211 : i32 to vector<16xi32>
        %add3A_213 = arith.addi %add3A_207, %add3A_212 : vector<16xi32>
        %add3A_214 = arith.constant 1 : i32
        %add3A_215 = vector.broadcast %add3A_214 : i32 to vector<16xi32>
        %add3A_216 = arith.addi %add3A_210, %add3A_215 : vector<16xi32>
        %add3A_217 = arith.constant 1 : i32
        %add3A_218 = vector.broadcast %add3A_217 : i32 to vector<16xi32>
        %add3A_219 = arith.addi %add3A_213, %add3A_218 : vector<16xi32>
        %add3A_220 = arith.constant 1 : i32
        %add3A_221 = vector.broadcast %add3A_220 : i32 to vector<16xi32>
        %add3A_222 = arith.addi %add3A_216, %add3A_221 : vector<16xi32>
        %add3A_223 = arith.constant 1 : i32
        %add3A_224 = vector.broadcast %add3A_223 : i32 to vector<16xi32>
        %add3A_225 = arith.addi %add3A_219, %add3A_224 : vector<16xi32>
        %add3A_226 = arith.constant 1 : i32
        %add3A_227 = vector.broadcast %add3A_226 : i32 to vector<16xi32>
        %add3A_228 = arith.addi %add3A_222, %add3A_227 : vector<16xi32>
        %add3A_229 = arith.constant 1 : i32
        %add3A_230 = vector.broadcast %add3A_229 : i32 to vector<16xi32>
        %add3A_231 = arith.addi %add3A_225, %add3A_230 : vector<16xi32>
        %add3A_232 = arith.constant 1 : i32
        %add3A_233 = vector.broadcast %add3A_232 : i32 to vector<16xi32>
        %add3A_234 = arith.addi %add3A_228, %add3A_233 : vector<16xi32>
        %add3A_235 = arith.constant 1 : i32
        %add3A_236 = vector.broadcast %add3A_235 : i32 to vector<16xi32>
        %add3A_237 = arith.addi %add3A_231, %add3A_236 : vector<16xi32>
        %add3A_238 = arith.constant 1 : i32
        %add3A_239 = vector.broadcast %add3A_238 : i32 to vector<16xi32>
        %add3A_240 = arith.addi %add3A_234, %add3A_239 : vector<16xi32>
        %add3A_241 = arith.constant 1 : i32
        %add3A_242 = vector.broadcast %add3A_241 : i32 to vector<16xi32>
        %add3A_243 = arith.addi %add3A_237, %add3A_242 : vector<16xi32>
        %add3A_244 = arith.constant 1 : i32
        %add3A_245 = vector.broadcast %add3A_244 : i32 to vector<16xi32>
        %add3A_246 = arith.addi %add3A_240, %add3A_245 : vector<16xi32>
        %add3A_247 = arith.constant 1 : i32
        %add3A_248 = vector.broadcast %add3A_247 : i32 to vector<16xi32>
        %add3A_249 = arith.addi %add3A_243, %add3A_248 : vector<16xi32>
        %add3A_250 = arith.constant 1 : i32
        %add3A_251 = vector.broadcast %add3A_250 : i32 to vector<16xi32>
        %add3A_252 = arith.addi %add3A_246, %add3A_251 : vector<16xi32>
        %add3A_253 = arith.constant 1 : i32
        %add3A_254 = vector.broadcast %add3A_253 : i32 to vector<16xi32>
        %add3A_255 = arith.addi %add3A_249, %add3A_254 : vector<16xi32>
        %add3A_256 = arith.constant 1 : i32
        %add3A_257 = vector.broadcast %add3A_256 : i32 to vector<16xi32>
        %add3A_258 = arith.addi %add3A_252, %add3A_257 : vector<16xi32>
        %add3A_259 = arith.constant 1 : i32
        %add3A_260 = vector.broadcast %add3A_259 : i32 to vector<16xi32>
        %add3A_261 = arith.addi %add3A_255, %add3A_260 : vector<16xi32>
        %add3A_262 = arith.constant 1 : i32
        %add3A_263 = vector.broadcast %add3A_262 : i32 to vector<16xi32>
        %add3A_264 = arith.addi %add3A_258, %add3A_263 : vector<16xi32>
        %add3A_265 = arith.constant 1 : i32
        %add3A_266 = vector.broadcast %add3A_265 : i32 to vector<16xi32>
        %add3A_267 = arith.addi %add3A_261, %add3A_266 : vector<16xi32>
        %add3A_268 = arith.constant 1 : i32
        %add3A_269 = vector.broadcast %add3A_268 : i32 to vector<16xi32>
        %add3A_270 = arith.addi %add3A_264, %add3A_269 : vector<16xi32>
        %add3A_271 = arith.constant 1 : i32
        %add3A_272 = vector.broadcast %add3A_271 : i32 to vector<16xi32>
        %add3A_273 = arith.addi %add3A_267, %add3A_272 : vector<16xi32>
        %add3A_274 = arith.constant 1 : i32
        %add3A_275 = vector.broadcast %add3A_274 : i32 to vector<16xi32>
        %add3A_276 = arith.addi %add3A_270, %add3A_275 : vector<16xi32>
        %add3A_277 = arith.constant 1 : i32
        %add3A_278 = vector.broadcast %add3A_277 : i32 to vector<16xi32>
        %add3A_279 = arith.addi %add3A_273, %add3A_278 : vector<16xi32>
        %add3A_280 = arith.constant 1 : i32
        %add3A_281 = vector.broadcast %add3A_280 : i32 to vector<16xi32>
        %add3A_282 = arith.addi %add3A_276, %add3A_281 : vector<16xi32>
        %add3A_283 = arith.constant 1 : i32
        %add3A_284 = vector.broadcast %add3A_283 : i32 to vector<16xi32>
        %add3A_285 = arith.addi %add3A_279, %add3A_284 : vector<16xi32>
        %add3A_286 = arith.constant 1 : i32
        %add3A_287 = vector.broadcast %add3A_286 : i32 to vector<16xi32>
        %add3A_288 = arith.addi %add3A_282, %add3A_287 : vector<16xi32>
        %gather3A = tpu.vector_load_idx %arg6[%add3A_135, %broadcast_in_dim3A_90, %and3A_196] : memref<4x16x1024xf32, #tpu.memory_space<vmem>>[vector<16xi32>, vector<16xi32>, vector<16xi32>], vector<16xf32>,
        %gather3A_289 = tpu.vector_load_idx %arg6[%add3A_135, %add3A_201, %and3A_196] : memref<4x16x1024xf32, #tpu.memory_space<vmem>>[vector<16xi32>, vector<16xi32>, vector<16xi32>], vector<16xf32>,
        %gather3A_290 = tpu.vector_load_idx %arg6[%add3A_135, %add3A_207, %and3A_196] : memref<4x16x1024xf32, #tpu.memory_space<vmem>>[vector<16xi32>, vector<16xi32>, vector<16xi32>], vector<16xf32>,
        %gather3A_291 = tpu.vector_load_idx %arg6[%add3A_135, %add3A_213, %and3A_196] : memref<4x16x1024xf32, #tpu.memory_space<vmem>>[vector<16xi32>, vector<16xi32>, vector<16xi32>], vector<16xf32>,
        %gather3A_292 = tpu.vector_load_idx %arg6[%add3A_135, %add3A_219, %and3A_196] : memref<4x16x1024xf32, #tpu.memory_space<vmem>>[vector<16xi32>, vector<16xi32>, vector<16xi32>], vector<16xf32>,
        %gather3A_293 = tpu.vector_load_idx %arg6[%add3A_135, %add3A_225, %and3A_196] : memref<4x16x1024xf32, #tpu.memory_space<vmem>>[vector<16xi32>, vector<16xi32>, vector<16xi32>], vector<16xf32>,
        %gather3A_294 = tpu.vector_load_idx %arg6[%add3A_135, %add3A_231, %and3A_196] : memref<4x16x1024xf32, #tpu.memory_space<vmem>>[vector<16xi32>, vector<16xi32>, vector<16xi32>], vector<16xf32>,
        %gather3A_295 = tpu.vector_load_idx %arg6[%add3A_135, %add3A_237, %and3A_196] : memref<4x16x1024xf32, #tpu.memory_space<vmem>>[vector<16xi32>, vector<16xi32>, vector<16xi32>], vector<16xf32>,
        %gather3A_296 = tpu.vector_load_idx %arg6[%add3A_135, %add3A_243, %and3A_196] : memref<4x16x1024xf32, #tpu.memory_space<vmem>>[vector<16xi32>, vector<16xi32>, vector<16xi32>], vector<16xf32>,
        %gather3A_297 = tpu.vector_load_idx %arg6[%add3A_135, %add3A_249, %and3A_196] : memref<4x16x1024xf32, #tpu.memory_space<vmem>>[vector<16xi32>, vector<16xi32>, vector<16xi32>], vector<16xf32>,
        %gather3A_298 = tpu.vector_load_idx %arg6[%add3A_135, %add3A_255, %and3A_196] : memref<4x16x1024xf32, #tpu.memory_space<vmem>>[vector<16xi32>, vector<16xi32>, vector<16xi32>], vector<16xf32>,
        %gather3A_299 = tpu.vector_load_idx %arg6[%add3A_135, %add3A_261, %and3A_196] : memref<4x16x1024xf32, #tpu.memory_space<vmem>>[vector<16xi32>, vector<16xi32>, vector<16xi32>], vector<16xf32>,
        %gather3A_300 = tpu.vector_load_idx %arg6[%add3A_135, %add3A_267, %and3A_196] : memref<4x16x1024xf32, #tpu.memory_space<vmem>>[vector<16xi32>, vector<16xi32>, vector<16xi32>], vector<16xf32>,
        %gather3A_301 = tpu.vector_load_idx %arg6[%add3A_135, %add3A_273, %and3A_196] : memref<4x16x1024xf32, #tpu.memory_space<vmem>>[vector<16xi32>, vector<16xi32>, vector<16xi32>], vector<16xf32>,
        %gather3A_302 = tpu.vector_load_idx %arg6[%add3A_135, %add3A_279, %and3A_196] : memref<4x16x1024xf32, #tpu.memory_space<vmem>>[vector<16xi32>, vector<16xi32>, vector<16xi32>], vector<16xf32>,
        %gather3A_303 = tpu.vector_load_idx %arg6[%add3A_135, %add3A_285, %and3A_196] : memref<4x16x1024xf32, #tpu.memory_space<vmem>>[vector<16xi32>, vector<16xi32>, vector<16xi32>], vector<16xf32>,
        tpu.vector_store_idx %arg7[%broadcast_in_dim3A_90, %add3A_139, %shift_right_logical3A_198], %gather3A : memref<1x192x256xf32, #tpu.memory_space<vmem>>[vector<16xi32>, vector<16xi32>, vector<16xi32>], vector<16xf32>,
        tpu.vector_store_idx %arg7[%broadcast_in_dim3A_90, %add3A_204, %shift_right_logical3A_198], %gather3A_289 : memref<1x192x256xf32, #tpu.memory_space<vmem>>[vector<16xi32>, vector<16xi32>, vector<16xi32>], vector<16xf32>,
        tpu.vector_store_idx %arg7[%broadcast_in_dim3A_90, %add3A_210, %shift_right_logical3A_198], %gather3A_290 : memref<1x192x256xf32, #tpu.memory_space<vmem>>[vector<16xi32>, vector<16xi32>, vector<16xi32>], vector<16xf32>,
        tpu.vector_store_idx %arg7[%broadcast_in_dim3A_90, %add3A_216, %shift_right_logical3A_198], %gather3A_291 : memref<1x192x256xf32, #tpu.memory_space<vmem>>[vector<16xi32>, vector<16xi32>, vector<16xi32>], vector<16xf32>,
        tpu.vector_store_idx %arg7[%broadcast_in_dim3A_90, %add3A_222, %shift_right_logical3A_198], %gather3A_292 : memref<1x192x256xf32, #tpu.memory_space<vmem>>[vector<16xi32>, vector<16xi32>, vector<16xi32>], vector<16xf32>,
        tpu.vector_store_idx %arg7[%broadcast_in_dim3A_90, %add3A_228, %shift_right_logical3A_198], %gather3A_293 : memref<1x192x256xf32, #tpu.memory_space<vmem>>[vector<16xi32>, vector<16xi32>, vector<16xi32>], vector<16xf32>,
        tpu.vector_store_idx %arg7[%broadcast_in_dim3A_90, %add3A_234, %shift_right_logical3A_198], %gather3A_294 : memref<1x192x256xf32, #tpu.memory_space<vmem>>[vector<16xi32>, vector<16xi32>, vector<16xi32>], vector<16xf32>,
        tpu.vector_store_idx %arg7[%broadcast_in_dim3A_90, %add3A_240, %shift_right_logical3A_198], %gather3A_295 : memref<1x192x256xf32, #tpu.memory_space<vmem>>[vector<16xi32>, vector<16xi32>, vector<16xi32>], vector<16xf32>,
        tpu.vector_store_idx %arg7[%broadcast_in_dim3A_90, %add3A_246, %shift_right_logical3A_198], %gather3A_296 : memref<1x192x256xf32, #tpu.memory_space<vmem>>[vector<16xi32>, vector<16xi32>, vector<16xi32>], vector<16xf32>,
        tpu.vector_store_idx %arg7[%broadcast_in_dim3A_90, %add3A_252, %shift_right_logical3A_198], %gather3A_297 : memref<1x192x256xf32, #tpu.memory_space<vmem>>[vector<16xi32>, vector<16xi32>, vector<16xi32>], vector<16xf32>,
        tpu.vector_store_idx %arg7[%broadcast_in_dim3A_90, %add3A_258, %shift_right_logical3A_198], %gather3A_298 : memref<1x192x256xf32, #tpu.memory_space<vmem>>[vector<16xi32>, vector<16xi32>, vector<16xi32>], vector<16xf32>,
        tpu.vector_store_idx %arg7[%broadcast_in_dim3A_90, %add3A_264, %shift_right_logical3A_198], %gather3A_299 : memref<1x192x256xf32, #tpu.memory_space<vmem>>[vector<16xi32>, vector<16xi32>, vector<16xi32>], vector<16xf32>,
        tpu.vector_store_idx %arg7[%broadcast_in_dim3A_90, %add3A_270, %shift_right_logical3A_198], %gather3A_300 : memref<1x192x256xf32, #tpu.memory_space<vmem>>[vector<16xi32>, vector<16xi32>, vector<16xi32>], vector<16xf32>,
        tpu.vector_store_idx %arg7[%broadcast_in_dim3A_90, %add3A_276, %shift_right_logical3A_198], %gather3A_301 : memref<1x192x256xf32, #tpu.memory_space<vmem>>[vector<16xi32>, vector<16xi32>, vector<16xi32>], vector<16xf32>,
        tpu.vector_store_idx %arg7[%broadcast_in_dim3A_90, %add3A_282, %shift_right_logical3A_198], %gather3A_302 : memref<1x192x256xf32, #tpu.memory_space<vmem>>[vector<16xi32>, vector<16xi32>, vector<16xi32>], vector<16xf32>,
        tpu.vector_store_idx %arg7[%broadcast_in_dim3A_90, %add3A_288, %shift_right_logical3A_198], %gather3A_303 : memref<1x192x256xf32, #tpu.memory_space<vmem>>[vector<16xi32>, vector<16xi32>, vector<16xi32>], vector<16xf32>,
      }
      %scan3A_168 = arith.constant 16 : i32
      %add3A_169 = arith.constant 4 : i32
      %add3A_170 = arith.addi %scan3A_113, %add3A_169 : i32
      %lt3A = arith.constant 72 : i32
      %lt3A_171 = arith.cmpi slt, %add3A_170, %lt3A : i32
      %convert_element_type3A_172 = arith.extui %lt3A_171 : i1 to i32
      %cond3A_173 = arith.constant 0 : i32
      %cond3A_174 = arith.cmpi ne, %convert_element_type3A_172, %cond3A_173 : i32
      scf.if %cond3A_174 {
        %add3A_180 = arith.constant 4 : i32
        %add3A_181 = arith.addi %scan3A_113, %add3A_180 : i32
        %jit3A_182 = arith.constant 12 : i32
        %div3A_183 = arith.divsi %add3A_181, %jit3A_182 : i32
        %sign3A_184 = arith.constant 0 : i32
        %sign3A_185 = arith.cmpi sgt, %add3A_181, %sign3A_184 : i32
        %sign3A_186 = arith.extui %sign3A_185 : i1 to i32
        %sign3A_187 = arith.constant 0 : i32
        %sign3A_188 = arith.cmpi slt, %add3A_181, %sign3A_187 : i32
        %sign3A_189 = arith.extui %sign3A_188 : i1 to i32
        %sign3A_190 = arith.subi %sign3A_186, %sign3A_189 : i32
        %sign3A_191 = arith.constant 0 : i32
        %sign3A_192 = arith.cmpi sgt, %jit3A_182, %sign3A_191 : i32
        %sign3A_193 = arith.extui %sign3A_192 : i1 to i32
        %sign3A_194 = arith.constant 0 : i32
        %sign3A_195 = arith.cmpi slt, %jit3A_182, %sign3A_194 : i32
        %sign3A_196 = arith.extui %sign3A_195 : i1 to i32
        %sign3A_197 = arith.subi %sign3A_193, %sign3A_196 : i32
        %ne3A_198 = arith.cmpi ne, %sign3A_190, %sign3A_197 : i32
        %rem3A_199 = arith.remsi %add3A_181, %jit3A_182 : i32
        %ne3A_200 = arith.constant 0 : i32
        %ne3A_201 = arith.cmpi ne, %rem3A_199, %ne3A_200 : i32
        %and3A_202 = arith.andi %ne3A_198, %ne3A_201 : i1
        %sub3A_203 = arith.constant 1 : i32
        %sub3A_204 = arith.subi %div3A_183, %sub3A_203 : i32
        %select_n3A_205 = arith.select %and3A_202, %sub3A_204, %div3A_183 : i32
        %rem3A_206 = arith.constant 12 : i32
        %rem3A_207 = arith.remsi %add3A_181, %rem3A_206 : i32
        %add3A_208 = arith.addi %mul3A_2, %select_n3A_205 : i32
        %mul3A_209 = arith.constant 16 : i32
        %mul3A_210 = arith.muli %rem3A_207, %mul3A_209 : i32
        %dma_start3A_211 = arith.constant 0 : i32
        %dma_start3A_212 = arith.constant 0 : i32
        %dma_start3A_213 = tpu.memref_slice %arg6[%rem3A_133, %dma_start3A_211, %dma_start3A_212] : memref<4x16x1024xf32, #tpu.memory_space<vmem>> -> memref<1x16x1024xf32, #tpu.memory_space<vmem>>
        %dma_start3A_214 = tpu.memref_squeeze %dma_start3A_213 : memref<1x16x1024xf32, #tpu.memory_space<vmem>> -> memref<16x1024xf32, #tpu.memory_space<vmem>>
        %dma_start3A_215 = arith.constant 0 : i32
        %dma_start3A_216 = tpu.memref_slice %arg2[%add3A_208, %mul3A_210, %dma_start3A_215] : memref<256x192x1024xf32, #tpu.memory_space<hbm>> -> memref<1x16x1024xf32, #tpu.memory_space<hbm>>
        %dma_start3A_217 = tpu.memref_squeeze %dma_start3A_216 : memref<1x16x1024xf32, #tpu.memory_space<hbm>> -> memref<16x1024xf32, #tpu.memory_space<hbm>>
        %dma_start3A_218 = tpu.memref_slice %arg8[%rem3A_133] : memref<4x!tpu.dma_semaphore, #tpu.memory_space<semaphore_mem>> -> memref<1x!tpu.dma_semaphore, #tpu.memory_space<semaphore_mem>>
        %dma_start3A_219 = tpu.memref_squeeze %dma_start3A_218 : memref<1x!tpu.dma_semaphore, #tpu.memory_space<semaphore_mem>> -> memref<!tpu.dma_semaphore, #tpu.memory_space<semaphore_mem>>
        %dma_start3A_220 = arith.constant 0 : i32
        %dma_start3A_221 = arith.constant 0 : i32
        %dma_start3A_222 = tpu.memref_slice %arg6[%rem3A_133, %dma_start3A_220, %dma_start3A_221] : memref<4x16x1024xf32, #tpu.memory_space<vmem>> -> memref<1x16x1024xf32, #tpu.memory_space<vmem>>
        %dma_start3A_223 = tpu.memref_squeeze %dma_start3A_222 : memref<1x16x1024xf32, #tpu.memory_space<vmem>> -> memref<16x1024xf32, #tpu.memory_space<vmem>>
        %dma_start3A_224 = arith.constant 0 : i32
        %dma_start3A_225 = tpu.memref_slice %arg2[%add3A_208, %mul3A_210, %dma_start3A_224] : memref<256x192x1024xf32, #tpu.memory_space<hbm>> -> memref<1x16x1024xf32, #tpu.memory_space<hbm>>
        %dma_start3A_226 = tpu.memref_squeeze %dma_start3A_225 : memref<1x16x1024xf32, #tpu.memory_space<hbm>> -> memref<16x1024xf32, #tpu.memory_space<hbm>>
        tpu.enqueue_dma source(%dma_start3A_226 : memref<16x1024xf32, #tpu.memory_space<hbm>>) target(%dma_start3A_223 : memref<16x1024xf32, #tpu.memory_space<vmem>>) target_semaphore(%dma_start3A_219 : memref<!tpu.dma_semaphore, #tpu.memory_space<semaphore_mem>>)
      } else {
      }
      %eq3A_175 = arith.constant 11 : i32
      %eq3A_176 = arith.cmpi eq, %rem3A_131, %eq3A_175 : i32
      %convert_element_type3A_177 = arith.extui %eq3A_176 : i1 to i32
      %cond3A_178 = arith.constant 0 : i32
      %cond3A_179 = arith.cmpi ne, %convert_element_type3A_177, %cond3A_178 : i32
      scf.if %cond3A_179 {
        %add3A_180 = arith.addi %mul3A_2, %select_n3A : i32
        %dma_start3A_181 = arith.constant 0 : i32
        %dma_start3A_182 = arith.constant 0 : i32
        %dma_start3A_183 = arith.constant 0 : i32
        %dma_start3A_184 = tpu.memref_slice %arg7[%dma_start3A_181, %dma_start3A_182, %dma_start3A_183] : memref<1x192x256xf32, #tpu.memory_space<vmem>> -> memref<1x192x256xf32, #tpu.memory_space<vmem>>
        %dma_start3A_185 = tpu.memref_squeeze %dma_start3A_184 : memref<1x192x256xf32, #tpu.memory_space<vmem>> -> memref<192x256xf32, #tpu.memory_space<vmem>>
        %dma_start3A_186 = arith.constant 0 : i32
        %dma_start3A_187 = arith.constant 0 : i32
        %dma_start3A_188 = tpu.memref_slice %arg4[%add3A_180, %dma_start3A_186, %dma_start3A_187] : memref<256x192x256xf32, #tpu.memory_space<hbm>> -> memref<1x192x256xf32, #tpu.memory_space<hbm>>
        %dma_start3A_189 = tpu.memref_squeeze %dma_start3A_188 : memref<1x192x256xf32, #tpu.memory_space<hbm>> -> memref<192x256xf32, #tpu.memory_space<hbm>>
        %dma_start3A_190 = arith.constant 0 : i32
        %dma_start3A_191 = arith.constant 0 : i32
        %dma_start3A_192 = tpu.memref_slice %arg4[%add3A_180, %dma_start3A_190, %dma_start3A_191] : memref<256x192x256xf32, #tpu.memory_space<hbm>> -> memref<1x192x256xf32, #tpu.memory_space<hbm>>
        %dma_start3A_193 = tpu.memref_squeeze %dma_start3A_192 : memref<1x192x256xf32, #tpu.memory_space<hbm>> -> memref<192x256xf32, #tpu.memory_space<hbm>>
        %dma_start3A_194 = arith.constant 0 : i32
        %dma_start3A_195 = arith.constant 0 : i32
        %dma_start3A_196 = tpu.memref_slice %arg7[%dma_start3A_181, %dma_start3A_194, %dma_start3A_195] : memref<1x192x256xf32, #tpu.memory_space<vmem>> -> memref<1x192x256xf32, #tpu.memory_space<vmem>>
        %dma_start3A_197 = tpu.memref_squeeze %dma_start3A_196 : memref<1x192x256xf32, #tpu.memory_space<vmem>> -> memref<192x256xf32, #tpu.memory_space<vmem>>
        tpu.enqueue_dma source(%dma_start3A_197 : memref<192x256xf32, #tpu.memory_space<vmem>>) target(%dma_start3A_193 : memref<192x256xf32, #tpu.memory_space<hbm>>) target_semaphore(%arg9 : memref<!tpu.dma_semaphore, #tpu.memory_space<semaphore_mem>>)
      } else {
      }
    }
    %scan3A_95 = arith.constant 72 : i32
    %dma_wait3A = arith.constant 0 : i32
    %dma_wait3A_96 = arith.constant 0 : i32
    %dma_wait3A_97 = arith.constant 0 : i32
    %dma_wait3A_98 = arith.constant 0 : i32
    %dma_wait3A_99 = tpu.memref_slice %arg7[%dma_wait3A, %dma_wait3A_97, %dma_wait3A_98] : memref<1x192x256xf32, #tpu.memory_space<vmem>> -> memref<1x192x256xf32, #tpu.memory_space<vmem>>
    %dma_wait3A_100 = tpu.memref_squeeze %dma_wait3A_99 : memref<1x192x256xf32, #tpu.memory_space<vmem>> -> memref<192x256xf32, #tpu.memory_space<vmem>>
    %dma_wait3A_101 = arith.constant 0 : i32
    %dma_wait3A_102 = arith.constant 0 : i32
    %dma_wait3A_103 = tpu.memref_slice %arg4[%dma_wait3A_96, %dma_wait3A_101, %dma_wait3A_102] : memref<256x192x256xf32, #tpu.memory_space<hbm>> -> memref<1x192x256xf32, #tpu.memory_space<hbm>>
    %dma_wait3A_104 = tpu.memref_squeeze %dma_wait3A_103 : memref<1x192x256xf32, #tpu.memory_space<hbm>> -> memref<192x256xf32, #tpu.memory_space<hbm>>
    %dma_wait3A_105 = arith.constant 0 : i32
    %dma_wait3A_106 = arith.constant 0 : i32
    %dma_wait3A_107 = tpu.memref_slice %arg4[%dma_wait3A_96, %dma_wait3A_105, %dma_wait3A_106] : memref<256x192x256xf32, #tpu.memory_space<hbm>> -> memref<1x192x256xf32, #tpu.memory_space<hbm>>
    %dma_wait3A_108 = tpu.memref_squeeze %dma_wait3A_107 : memref<1x192x256xf32, #tpu.memory_space<hbm>> -> memref<192x256xf32, #tpu.memory_space<hbm>>
    %dma_wait3A_109 = arith.constant 0 : i32
    %dma_wait3A_110 = arith.constant 0 : i32
    %dma_wait3A_111 = tpu.memref_slice %arg7[%dma_wait3A, %dma_wait3A_109, %dma_wait3A_110] : memref<1x192x256xf32, #tpu.memory_space<vmem>> -> memref<1x192x256xf32, #tpu.memory_space<vmem>>
    %dma_wait3A_112 = tpu.memref_squeeze %dma_wait3A_111 : memref<1x192x256xf32, #tpu.memory_space<vmem>> -> memref<192x256xf32, #tpu.memory_space<vmem>>
    tpu.wait_dma2 semaphore(%arg9 : memref<!tpu.dma_semaphore, #tpu.memory_space<semaphore_mem>>) src(%dma_wait3A_112 : memref<192x256xf32, #tpu.memory_space<vmem>>) dst(%dma_wait3A_108 : memref<192x256xf32, #tpu.memory_space<hbm>>)
    return
  }
}

module attributes {stable_mosaic.version = 14 : i64} {
  func.func @_tc_body(%arg0: i32, %arg1: memref<1x1x256xi32, #tpu.memory_space<vmem>>, %arg2: memref<1x192x1024xf32, #tpu.memory_space<vmem>>, %arg3: memref<1x192x256xf32, #tpu.memory_space<vmem>>) attributes {dimension_semantics = [#tpu.dimension_semantics<arbitrary>], iteration_bounds = array<i64: 64>, scalar_prefetch = 0 : i64, scratch_operands = 0 : i64, tpu.core_type = #tpu.core_type<tc>, window_params = [{transform_indices = @transform_0, window_bounds = array<i64: 1, 1, 256>}, {transform_indices = @transform_1, window_bounds = array<i64: 1, 192, 1024>}, {transform_indices = @transform_2, window_bounds = array<i64: 1, 192, 256>}]} {
    %get3A = arith.constant 0 : index
    %get3A_0 = arith.constant 0 : index
    %get3A_1 = arith.constant 0 : index
    %get3A_2 = vector.load %arg1[%get3A, %get3A_0, %get3A_1] : memref<1x1x256xi32, #tpu.memory_space<vmem>>, vector<1x1x256xi32>
    %get3A_3 = vector.shape_cast %get3A_2 : vector<1x1x256xi32> to vector<256xi32>
    %iota3A = tpu.iota {dimensions = array<i32: 0>} : vector<1024x256xi32>
    %broadcast_in_dim3A = vector.shape_cast %get3A_3 : vector<256xi32> to vector<1x256xi32>
    %eq3A = vector.broadcast %broadcast_in_dim3A : vector<1x256xi32> to vector<1024x256xi32>
    %eq3A_4 = arith.cmpi eq, %iota3A, %eq3A : vector<1024x256xi32>
    %convert_element_type3A = arith.extui %eq3A_4 : vector<1024x256xi1> to vector<1024x256xi32>
    %convert_element_type3A_5 = arith.sitofp %convert_element_type3A : vector<1024x256xi32> to vector<1024x256xf32>
    %get3A_6 = arith.constant 0 : index
    %get3A_7 = arith.constant 0 : index
    %get3A_8 = arith.constant 0 : index
    %get3A_9 = vector.load %arg2[%get3A_6, %get3A_7, %get3A_8] : memref<1x192x1024xf32, #tpu.memory_space<vmem>>, vector<1x192x1024xf32>
    %get3A_10 = vector.shape_cast %get3A_9 : vector<1x192x1024xf32> to vector<192x1024xf32>
    %dot_general3A = arith.constant dense<0.000000e+00> : vector<192x256xf32>
    %dot_general3A_11 = tpu.matmul %get3A_10, %convert_element_type3A_5, %dot_general3A {dimension_numbers = #tpu.dot_dimension_numbers<[1], [0], [0], [1], [0, 0, 1, 1], [], []>, transpose_lhs_hint = false} : vector<192x1024xf32>, vector<1024x256xf32>, vector<192x256xf32> -> vector<192x256xf32>
    %swap3A = arith.constant 0 : index
    %swap3A_12 = arith.constant 0 : index
    %swap3A_13 = arith.constant 0 : index
    %swap3A_14 = vector.load %arg3[%swap3A, %swap3A_12, %swap3A_13] : memref<1x192x256xf32, #tpu.memory_space<vmem>>, vector<1x192x256xf32>
    %swap3A_15 = vector.shape_cast %swap3A_14 : vector<1x192x256xf32> to vector<192x256xf32>
    %swap3A_16 = vector.shape_cast %dot_general3A_11 : vector<192x256xf32> to vector<1x192x256xf32>
    tpu.vector_store %arg3[%swap3A, %swap3A_12, %swap3A_13], %swap3A_16 {strides = array<i32>} : memref<1x192x256xf32, #tpu.memory_space<vmem>>, vector<1x192x256xf32>,
    return
  }
  func.func @transform_0(%arg0: i32) -> (i32, i32, i32) {
    %c0_i32 = arith.constant 0 : i32
    %c0_i32_0 = arith.constant 0 : i32
    %c0_i32_1 = arith.constant 0 : i32
    return %arg0, %c0_i32, %c0_i32_0 : i32, i32, i32
  }
  func.func @transform_1(%arg0: i32) -> (i32, i32, i32) {
    %add3A = arith.constant 192 : i32
    %add3A_0 = arith.addi %add3A, %arg0 : i32
    %c0_i32 = arith.constant 0 : i32
    %c0_i32_1 = arith.constant 0 : i32
    %c0_i32_2 = arith.constant 0 : i32
    return %add3A_0, %c0_i32, %c0_i32_1 : i32, i32, i32
  }
  func.func @transform_2(%arg0: i32) -> (i32, i32, i32) {
    %c0_i32 = arith.constant 0 : i32
    %c0_i32_0 = arith.constant 0 : i32
    %c0_i32_1 = arith.constant 0 : i32
    return %arg0, %c0_i32, %c0_i32_0 : i32, i32, i32
  }
}

</mosaic_0001>

<sc_bundles>
// kernel: kernel.4.cloned.1.call-start
scs
__scs_entry_jumppad:
0x0: {  	(pc) =	sbr.rel $0x88, $3  }
0x1: {  	(tag) =	ssettag $0x0;
	lr =	simm.s32 $0x1  }
0x2: {  	[smem:$0x3FA0] =	sst lr;
	_ =	strace $0xD0000000  }
0x3: {  	_ = 	snop  }
0x4: {  	_ = 	snop  }
0x5: {  	_ = 	snop  }
0x6: {  	_ = 	snop  }
0x7: {  	_ = 	snop  }
__scs_overlays_trampoline_lowered:
0x8: {  	[smem:$0x3FAF] =	sst s0  }
0x9: {  	[smem:$0x3FB0] =	sst s1  }
0xa: {  	[smem:$0x3FB1] =	sst s2  }
0xb: {  	[smem:$0x3FB2] =	sst s3  }
0xc: {  	[smem:$0x3FB3] =	sst s4  }
0xd: {  	[smem:$0x3FB4] =	sst s5  }
0xe: {  	[smem:$0x3FB5] =	sst s6  }
0xf: {  	[smem:$0x3FB6] =	sst s7  }
0x10: {  	[smem:$0x3FB7] =	sst s8  }
0x11: {  	[smem:$0x3FB8] =	sst s9;
	s0 =	simm.s32 @!p0 $0x0  }
0x12: {  	s1 =	sld [smem:$0x3F9E];
	s0 =	simm.s32 @p0 $0x1  }
0x13: {  	[smem:$0x3FB9] =	sst s0;
	s0 =	simm.s32 @!p1 $0x0  }
0x14: {  	s2 =	sld [smem:$0x3F9D];
	s0 =	simm.s32 @p1 $0x1  }
0x15: {  	[smem:$0x3FBA] =	sst s0;
	s0 =	simm.s32 @!p2 $0x0  }
0x16: {  	s3 =	sld [smem:$0x3FDB];
	s0 =	simm.s32 @p2 $0x1  }
0x17: {  	s4 =	simm.s32 $0x1BF5;
	[smem:$0x3FBC] =	sst s0  }
0x18: {  	s0 =	sld [smem:$0x3F9F];
	_ =	swait.ge [sflag:s4], $0x0  }
0x19: {  	s7 =	sld [smem:$0x3FA0]  }
0x1a: {  	s8 =	sadd.s32 $0xFFFFE003, lr  }
0x1b: {  	s9 =	sadd.s32 $0xFFFFFEF7, lr;
	s5 =	simm.s32 $0xFFFFFFFF;
	p2 =	slt.u32 s8, $0xFFFFF086  }
0x1c: {  	p1 =	slt.u32 s9, $0xF7A;
	s5 =	simm.s32 @!p2 $0x0  }
0x1d: {  	s5 =	simm.s32 @p1 $0x1;
	p0 =	seq.s32 s7, s2  }
0x1e: {  	s7 =	smul.u32 @!p0 $0xF7A, s2;
	p2 =	seq.s32 @!p0 s5, $0x0  }
0x1f: {  	s9 =	smul.u32 $0xF7A, s1;
	s8 =	simm.s32 @!p0 $0x1BF5;
	p2 =	por !p2, p0  }
0x20: {  	[sflag:s8] =	ssyncset.s32 @!p0 $0xFFFFF086;
	s6 =	sadd.s32 @!p0 s3, s7;
	s7 =	simm.s32 @!p0 $0x108  }
0x21: {  	s3 =	sadd.s32 s3, s9;
	s6 =	sadd.s32 @!p0 $0x88, s6;
	s7 =	simm.s32 @p2 $0x1082  }
0x22: {  	[simem:s7], [sflag:s8] =	dma.local @!p0 [hbm:s6], $0xF7A  }
0x23: {  	s9 =	sor.u32 $0xD0000000, s2;
	s6 =	simm.s32 $0x108;
	_ =	swait.ge @!p0 [sflag:s8], $0x0  }
0x24: {  	s3 =	sadd.s32 $0x88, s3;
	s6 =	simm.s32 @!p1 $0x1082;
	[sflag:s4] =	ssyncset.s32 $0xFFFFF086  }
0x25: {  	[simem:s6], [sflag:s4] =	dma.local [hbm:s3], $0xF7A  }
0x26: {  	[smem:$0x3FA0] =	sst s1;
	(tag) =	ssettag s2;
	_ =	strace s9  }
0x27: {  	s1 =	sld [smem:$0x3FB0]  }
0x28: {  	s2 =	sld [smem:$0x3FB1]  }
0x29: {  	s4 =	sld [smem:$0x3FB3]  }
0x2a: {  	p0 =	seq.s32 s5, $0x0;
	s5 =	sld [smem:$0x3FB4]  }
0x2b: {  	s6 =	sld [smem:$0x3FB5]  }
0x2c: {  	s7 =	sld [smem:$0x3FB6]  }
0x2d: {  	s3 =	simm.s32 $0x108;
	s8 =	sld [smem:$0x3FB7]  }
0x2e: {  	s3 =	simm.s32 @!p0 $0x1082;
	s9 =	sld [smem:$0x3FB8]  }
0x2f: {  	lr =	sadd.s32 s0, s3;
	s0 =	sld [smem:$0x3FAF]  }
0x30: {  	s3 =	sld [smem:$0x3FB2]  }
0x31: {  	[smem:$0x3FBB] =	sst s10  }
0x32: {  	s10 =	sld [smem:$0x3FB9];
	_ =	sdelay $0x3  }
0x33: {  	p0 =	seq.s32 s10, $0x1;
	s10 =	sld [smem:$0x3FBB];
	_ =	sdelay $0x3  }
0x34: {  	[smem:$0x3FBB] =	sst s10  }
0x35: {  	s10 =	sld [smem:$0x3FBA];
	_ =	sdelay $0x3  }
0x36: {  	p1 =	seq.s32 s10, $0x1;
	s10 =	sld [smem:$0x3FBB];
	_ =	sdelay $0x3  }
0x37: {  	[smem:$0x3FBB] =	sst s10  }
0x38: {  	s10 =	sld [smem:$0x3FBC]  }
0x39: {  	_ = 	snop;
	(pc) =	sbr.ind lr, $3  }
0x3a: {  	_ = 	snop  }
0x3b: {  	_ = 	snop  }
0x3c: {  	p2 =	seq.s32 s10, $0x1;
	s10 =	sld [smem:$0x3FBB]  }
0x3d: {  	_ =	shalt  }
0x3e: {  	_ =	shalt  }
0x3f: {  	_ =	shalt  }
0x40: {  	_ =	shalt  }
0x41: {  	_ =	shalt  }
0x42: {  	_ =	shalt  }
0x43: {  	_ =	shalt  }
0x44: {  	_ =	shalt  }
0x45: {  	_ =	shalt  }
0x46: {  	_ =	shalt  }
0x47: {  	_ =	shalt  }
0x48: {  	_ =	shalt  }
0x49: {  	_ =	shalt  }
0x4a: {  	_ =	shalt  }
0x4b: {  	_ =	shalt  }
0x4c: {  	_ =	shalt  }
0x4d: {  	_ =	shalt  }
0x4e: {  	_ =	shalt  }
0x4f: {  	_ =	shalt  }
0x50: {  	_ =	shalt  }
0x51: {  	_ =	shalt  }
0x52: {  	_ =	shalt  }
0x53: {  	_ =	shalt  }
0x54: {  	_ =	shalt  }
0x55: {  	_ =	shalt  }
0x56: {  	_ =	shalt  }
0x57: {  	_ =	shalt  }
0x58: {  	_ =	shalt  }
0x59: {  	_ =	shalt  }
0x5a: {  	_ =	shalt  }
0x5b: {  	_ =	shalt  }
0x5c: {  	_ =	shalt  }
0x5d: {  	_ =	shalt  }
0x5e: {  	_ =	shalt  }
0x5f: {  	_ =	shalt  }
0x60: {  	_ =	shalt  }
0x61: {  	_ =	shalt  }
0x62: {  	_ =	shalt  }
0x63: {  	_ =	shalt  }
0x64: {  	_ =	shalt  }
0x65: {  	_ =	shalt  }
0x66: {  	_ =	shalt  }
0x67: {  	_ =	shalt  }
0x68: {  	_ =	shalt  }
0x69: {  	_ =	shalt  }
0x6a: {  	_ =	shalt  }
0x6b: {  	_ =	shalt  }
0x6c: {  	_ =	shalt  }
0x6d: {  	_ =	shalt  }
0x6e: {  	_ =	shalt  }
0x6f: {  	_ =	shalt  }
0x70: {  	_ =	shalt  }
0x71: {  	_ =	shalt  }
0x72: {  	_ =	shalt  }
0x73: {  	_ =	shalt  }
0x74: {  	_ =	shalt  }
0x75: {  	_ =	shalt  }
0x76: {  	_ =	shalt  }
0x77: {  	_ =	shalt  }
0x78: {  	_ =	shalt  }
0x79: {  	_ =	shalt  }
0x7a: {  	_ =	shalt  }
0x7b: {  	_ =	shalt  }
0x7c: {  	_ =	shalt  }
0x7d: {  	_ =	shalt  }
0x7e: {  	_ =	shalt  }
0x7f: {  	_ =	shalt  }
0x80: {  	_ =	shalt  }
0x81: {  	_ =	shalt  }
0x82: {  	_ =	shalt  }
0x83: {  	_ =	shalt  }
0x84: {  	_ =	shalt  }
0x85: {  	_ =	shalt  }
0x86: {  	_ =	shalt  }
0x87: {  	_ =	shalt  }
.Lfunc_end0:
.L_simem_size_0:
called_computation_lowered:
.L_overlay_start_0:
0x88: {  	s2 =	sld [smem:$0x3FD9]  }
0x89: {  	s3 =	sld [smem:$0x3FFE];
	_ =	sdelay $0x1  }
0x8a: {  	s1 =	srdreg.scid  }
0x8b: {  	s0 =	sand.u32 $0x1, s1  }
0x8c: {  	s15 =	sshll.u32 s0, $0xA;
	s2 =	sadd.s32 s3, s2  }
0x8d: {  	s2 =	sadd.s32 s2, s15  }
0x8e: {  	[smem:$0x3FC7] =	sst s2  }
0x8f: {  	_ = 	snop  }
0x90: {  	s2 =	sld [smem:$0x3FD0];
	_ =	sdelay $0x2  }
0x91: {  	s4 =	simm.s32 $0xA;
	s5 =	simm.s32 $0x10;
	s16 =	sld [smem:$0x3FC9]  }
0x92: {  	[smem:s5], [sflag:s4] =	dma.local [hbm:s2], $0x1  }
0x93: {  	_ =	swait.eq [sflag:s4], $0x1  }
0x94: {  	[sflag:s4] =	ssyncset.done $0x0  }
0x95: {  	s17 =	sld [smem:$0x10];
	[sflag:s4] =	ssyncadd.s32 $0xFFFFFFFF  }
0x96: {  	s18 =	sld [smem:$0x12];
	(tm) =	ssettm $0x1  }
0x97: {  	s19 =	sld [smem:$0x3FFB];
	_ =	sdelay $0x3  }
0x98: {  	_ =	strace s19  }
0x99: {  	s5 =	sld [smem:$0x3FFC];
	_ =	sdelay $0x3  }
0x9a: {  	_ =	strace s5  }
0x9b: {  	s5 =	sld [smem:$0x3FFD];
	_ =	sdelay $0x3  }
0x9c: {  	_ =	strace s5  }
0x9d: {  	_ =	strace $0x8FFFFFFF  }
0x9e: {  	s20 =	sld [smem:$0x3FDB];
	_ =	sdelay $0x1  }
0x9f: {  	s6 =	simm.s32 $_scs_section_size  }
0xa0: {  	s7 =	simm.s32 $_size__tile_overlayer_lowered;
	s8 =	simm.s32 $_tile_overlayer_lowered  }
0xa1: {  	s23 =	simm.s32 $0x1BFF;
	s22 =	sshll.u32 s8, $0x1;
	s5 =	sadd.s32 s6, s20  }
0xa2: {  	s9 =	simm.s32 $0x0;
	s21 =	sshll.u32 s7, $0x1;
	s7 =	sadd.s32 s22, s5  }
0xa3: {  	[timem:s9], [sflag:s23] =	dma.local [hbm:s7], s21  }
0xa4: {  	_ =	swait.ge [sflag:s23], s21  }
0xa5: {  	s6 =	ssub.s32 $0x0, s21;
	[sflag:s23] =	ssyncset.done $0x0  }
0xa6: {  	[sflag:s23] =	ssyncadd.s32 s6;
	_ =	sdelay $0x1  }
0xa7: {  	s24 =	simm.s32 $0x1B8B  }
0xa8: {  	_ =	swait.ge [sflag:s24], $0x1  }
0xa9: {  	[sflag:s24] =	ssyncset.done $0x0  }
0xaa: {  	s25 =	simm.s32 $0x1B8E;
	[sflag:s24] =	ssyncadd.s32 $0xFFFFFFFF  }
0xab: {  	s26 =	simm.s32 $execute0_lowered;
	[smem:$0x3FD2] =	sst s25  }
0xac: {  	s6 =	sshll.u32 s26, $0x1;
	_ =	strace $0x80000046;
	[dreg:$0x1] =	wrdreg $0xFFFFFFFF  }
0xad: {  	s28 =	simm.s32 $_size_execute0_lowered;
	s5 =	sadd.s32 s5, s6;
	[dreg:$0x0] =	wrdreg $0x0  }
0xae: {  	s6 =	sshll.u32 s28, $0x1;
	[dreg:$0x2] =	wrdreg s5  }
0xaf: {  	[dreg:$0x3] =	wrdreg s6  }
0xb0: {  	[dreg:$0x4] =	wrdreg $0xC0  }
0xb1: {  	_ =	task [dreg:s9], $0x5FFFF  }
0xb2: {  	[dreg:$0x1] =	wrdreg $0xFFFFFFFF  }
0xb3: {  	[dreg:$0x0] =	wrdreg $0x60  }
0xb4: {  	[dreg:$0x2] =	wrdreg s16  }
0xb5: {  	[dreg:$0x3] =	wrdreg s18  }
0xb6: {  	[dreg:$0x4] =	wrdreg s17  }
0xb7: {  	[dreg:$0x5] =	wrdreg $0x9  }
0xb8: {  	_ =	task.clear_ibuf [dreg:s9], $0x6FFFF;
	_ =	strace $0x90000046  }
0xb9: {  	s29 =	simm.s32 $0x9;
	_ =	strace $0x80000048  }
0xba: {  	_ =	swait.ge [sflag:s29], $0x1  }
0xbb: {  	[sflag:s29] =	ssyncadd.s32 $0xFFFFFFFF  }
0xbc: {  	_ =	strace $0x90000048  }
0xbd: {  	_ =	sfence  }
0xbe: {  	s30 =	sld [smem:$0x0];
	_ =	sdelay $0x2  }
0xbf: {  	s31 =	sshll.u32 s1, $0xD;
	s1 =	sshrl.u32 s1, $0x2  }
0xc0: {  	s3 =	sand.u32 $0x4000, s31;
	s1 =	sadd.s32 s1, s30  }
0xc1: {  	s0 =	sor.u32 s3, s0;
	s1 =	sshll.u32 s1, $0x11  }
0xc2: {  	s0 =	sor.u32 s1, s0  }
0xc3: {  	s0 =	sadd.s32 $0x8F2B, s0  }
0xc4: {  	[sflag:s0] =	ssyncadd.remote.s32 $0x1  }
0xc5: {  	_ =	sfence.sel $0xFFFF  }
0xc6: {  	[dreg:$0x0] =	wrdreg $0xFFFFFFFF;
	(pc) =	sbr.abs _section_cstart, $3  }
0xc7: {  	[dreg:$0x1] =	wrdreg $0xFFFFFFFF  }
0xc8: {  	_ =	task.clear_ibuf [dreg:s9], $0x2FFFF;
	_ =	strace $0x9FFFFFFF  }
0xc9: {  	(tm) =	ssettm $0x7FFFFFFF  }
tec
execute0_lowered:
.L_overlay_start_1:
0x0: {  	(tag) =	ssettag $0x1  }
0x1: {  	s2 =	rddreg [dreg:$0x0]  }
0x2: {  	s6 =	rddreg [dreg:$0x1]  }
0x3: {  	s3 =	rddreg [dreg:$0x2]  }
0x4: {  	s4 =	srdreg.scid;
	s1 =	stileid.u32  }
0x5: {  	s0 =	rddreg [dreg:$0x3];
	s12 =	simm.s32 $0x6;
	s13 =	simm.s32 $0x800  }
0x6: {  	s14 =	simm.s32 $0x4800;
	s15 =	simm.s32 $0x8800;
	s16 =	simm.s32 $0xC800  }
0x7: {  	s17 =	simm.s32 $0x10800;
	s18 =	simm.s32 $0x5;
	s19 =	simm.s32 $0x0  }
0x8: {  	s5 =	sand.u32 $0x1, s4;
	s7 =	sshll.u32 s1, $0x1;
	s4 =	simm.s32 $0x0  }
0x9: {  	s8 =	ssub.s32 $0x2, s5;
	s5 =	sor.u32 s5, s7;
	[smem:$0x7FF] =	sst s4  }
0xa: {  	s30 =	sshrl.u32 s8, $0x1;
	s9 =	smul.u32 $0x24000, s5;
	_ =	strace $0x80000047  }
0xb: {  	s31 =	sshll.u32 s5, $0x8;
	s5 =	smul.u32 $0x6, s5;
	s11 =	ssub.s32 s8, s30  }
0xc: {  	s6 =	sadd.s32 s6, s31;
	s7 =	sadd.s32 s2, s9;
	s11 =	smax.u32 s11, $0x1  }
0xd: {  	s8 =	sadd.s32 $0x800, s7;
	s9 =	sadd.s32 $0x1000, s7;
	s10 =	sadd.s32 $0x1800, s7  }
.LBB2_1:
0xe: {  	[tilespmem:s4], [sflag:$0x6] =	stream.linear.gather [hbm4b:s6+s4], $0x600, $0x38;
	[tilespmem:$0x1C800] =	vst v63  }
0xf: {  	_ =	swait.ge [sflag:s12], $0x600  }
0x10: {  	[sflag:s12] =	ssyncset.done $0x0  }
0x11: {  	[sflag:s12] =	ssyncadd.s32 $0xFFFFFA00  }
0x12: {  	[tilespmem:s13], [sflag:$0x1] =	stream.linear.gather [hbm4b:s7+s4], $0x4000, $0x38;
	[tilespmem:$0x1C800] =	vst v63  }
0x13: {  	_ = 	snop  }
0x14: {  	[tilespmem:s14], [sflag:$0x2] =	stream.linear.gather [hbm4b:s8+s4], $0x4000, $0x38;
	[tilespmem:$0x1C800] =	vst v63  }
0x15: {  	_ = 	snop  }
0x16: {  	[tilespmem:s15], [sflag:$0x3] =	stream.linear.gather [hbm4b:s9+s4], $0x4000, $0x38;
	[tilespmem:$0x1C800] =	vst v63  }
0x17: {  	s20 =	simm.s32 $0x0  }
0x18: {  	[tilespmem:s16], [sflag:$0x4] =	stream.linear.gather [hbm4b:s10+s4], $0x4000, $0x38;
	[tilespmem:$0x1C800] =	vst v63  }
.LBB2_2:
0x19: {  	s21 =	smul.u32 $0xAB, s20;
	_ =	sdelay $0x1  }
0x1a: {  	s21 =	sshrl.u32 s21, $0xB  }
0x1b: {  	s21 =	sand.u32 $0x1F, s21  }
0x1c: {  	s22 =	smul.u32 $0xC, s21;
	_ =	sdelay $0x1  }
0x1d: {  	p0 =	seq.s32 s20, $0x0;
	s26 =	sand.u32 $0x3, s20;
	s23 =	ssub.s32 s20, s22  }
0x1e: {  	s22 =	sadd.s32 $0x1, s26;
	s24 =	sand.u32 @!p0 $0xFF, s23  }
0x1f: {  	_ =	swait.ge [sflag:s22], $0x4000;
	p1 =	sne.s32 @!p0 s24, $0x0  }
0x20: {  	[sflag:s22] =	ssyncset.done $0x0;
	s24 =	simm.s32 $0x0;
	p0 =	por p1, p0  }
0x21: {  	[sflag:s22] =	ssyncadd.s32 $0xFFFFC000;
	s29 =	sand.u32 $0x200, s24;
	s28 =	simm.s32 @!p0 $0x5  }
0x22: {  	s25 =	sshll.u32 s21, $0x8;
	s29 =	sshrl.u32 s29, $0x2;
	_ =	swait.ge @!p0 [sflag:s28], $0xC000  }
0x23: {  	s30 =	sand.u32 $0x70, s24;
	s29 =	sadd.s32 s29, s25;
	[sflag:s28] =	ssyncset.done @!p0 $0x0  }
0x24: {  	[sflag:s28] =	ssyncadd.s32 @!p0 $0xFFFF4000;
	s28 =	sadd.s32 s30, s29  }
0x25: {  	v5 =	vld [tilespmem:s28+$0x0];
	_ =	sdelay $0x3  }
0x26: {  	s26 =	sshll.u32 s26, $0xE  }
0x27: {  	v0 =	vmov s26;
	v2 =	vshll.u32 v5, $0x3  }
0x28: {  	v1 =	vor.u32 $0x2000, v0;
	v2 =	vand.u32 $0x1C00, v2  }
0x29: {  	v3 =	vand.u32 $0x7F, v5;
	v4 =	vor.u32 v1, v2  }
0x2a: {  	v2 =	vor.u32 v0, v2;
	v10 =	vor.u32 v4, v3  }
0x2b: {  	v11 =	vor.u32 v3, v2  }
0x2c: {  	v2 =	vor.u32 $0x280, v11  }
0x2d: {  	v3 =	vor.u32 $0x200, v10  }
0x2e: {  	v7 =	vor.u32 $0x100, v11  }
0x2f: {  	v8 =	vor.u32 $0x380, v10;
	v6 =	vld.idx.msk [tilespmem:v10+s13+$0x0], $0xffff  }
0x30: {  	v12 =	vor.u32 $0x100, v10;
	v13 =	vld.idx.msk [tilespmem:v11+s13+$0x0], $0xffff  }
0x31: {  	v14 =	vor.u32 $0x200, v11;
	v9 =	vld.idx.msk [tilespmem:v2+s13+$0x0], $0xffff  }
0x32: {  	s28 =	sshll.u32 s23, $0x4;
	v15 =	vor.u32 $0x300, v10;
	v4 =	vld.idx.msk [tilespmem:v3+s13+$0x0], $0xffff  }
0x33: {  	s28 =	sand.u32 $0xF0, s28;
	v16 =	vor.u32 $0x180, v10;
	v19 =	vld.idx.msk [tilespmem:v7+s13+$0x0], $0xffff  }
0x34: {  	v18 =	vor.u32 $0x80, v11;
	v3 =	vld.idx.msk [tilespmem:v8+s13+$0x0], $0xffff;
	v2 =	vmov s28  }
0x35: {  	v21 =	vor.u32 $0x280, v10;
	v8 =	vld.idx.msk [tilespmem:v12+s13+$0x0], $0xffff;
	v2 =	vshll.u32 v2, $0x8  }
0x36: {  	v17 =	vor.u32 $0x380, v11;
	v12 =	vld.idx.msk [tilespmem:v14+s13+$0x0], $0xffff;
	v14 =	vshrl.u32 v5, $0x7;
	v2 =	vbroadcast v2, $0x0  }
0x37: {  	v20 =	vor.u32 $0x180, v11;
	v7 =	vld.idx.msk [tilespmem:v15+s13+$0x0], $0xffff;
	v5 =	vshrl.u32 v5, $0xA;
	v22 =	vand.u32 $0x1FFFC00, v14  }
0x38: {  	v15 =	vor.u32 $0x80, v10;
	v10 =	vld.idx.msk [tilespmem:v16+s13+$0x0], $0xffff;
	v24 =	vand.u32 $0x7F, v5;
	v16 =	vadd.s32 v2, v22  }
0x39: {  	v23 =	vor.u32 $0x300, v11;
	v18 =	vld.idx.msk [tilespmem:v18+s13+$0x0], $0xffff;
	v25 =	vor.u32 v24, v16  }
0x3a: {  	v11 =	vld.idx.msk [tilespmem:v21+s13+$0x0], $0xffff;
	v26 =	vor.u32 $0x80, v25  }
0x3b: {  	v14 =	vld.idx.msk [tilespmem:v17+s13+$0x0], $0xffff;
	v27 =	vor.u32 $0x100, v25  }
0x3c: {  	v17 =	vld.idx.msk [tilespmem:v20+s13+$0x0], $0xffff;
	v5 =	vor.u32 $0x800, v2  }
0x3d: {  	v15 =	vld.idx.msk [tilespmem:v15+s13+$0x0], $0xffff;
	v20 =	vadd.s32 v5, v22;
	v22 =	vor.u32 $0x180, v25  }
0x3e: {  	v16 =	vld.idx.msk [tilespmem:v23+s13+$0x0], $0xffff;
	[tilespmem:v25+s17+$0x0] =	vst.idx.msk $0xffff, v13;
	v13 =	vor.u32 v24, v20;
	v20 =	vor.u32 $0x200, v25  }
0x3f: {  	v21 =	vor.u32 $0x280, v25;
	[tilespmem:v26+s17+$0x0] =	vst.idx.msk $0xffff, v18  }
0x40: {  	s26 =	sor.u32 $0x800, s26;
	s28 =	simm.s32 $0x40;
	v18 =	vor.u32 $0x300, v25;
	[tilespmem:v27+s17+$0x0] =	vst.idx.msk $0xffff, v19;
	v19 =	vor.u32 $0x380, v25  }
.LBB2_3:
0x41: {  	p0 =	sne.s32 s28, $0x3C0  }
0x42: {  	[tilespmem:v22+s17+$0x0] =	vst.idx.msk $0xffff, v17;
	s24 =	sadd.s32 $0x10, s24;
	s29 =	smov.u32 s28;
	s28 =	sadd.s32 $0x40, s28  }
0x43: {  	[tilespmem:v20+s17+$0x0] =	vst.idx.msk $0xffff, v12;
	v12 =	vor.u32 $0x80, v13  }
0x44: {  	[tilespmem:v21+s17+$0x0] =	vst.idx.msk $0xffff, v9;
	v9 =	vor.u32 $0x100, v13  }
0x45: {  	[tilespmem:v18+s17+$0x0] =	vst.idx.msk $0xffff, v16;
	v16 =	vor.u32 $0x180, v13  }
0x46: {  	[tilespmem:v19+s17+$0x0] =	vst.idx.msk $0xffff, v14;
	v14 =	vor.u32 $0x200, v13  }
0x47: {  	[tilespmem:v13+s17+$0x0] =	vst.idx.msk $0xffff, v6;
	v6 =	vor.u32 $0x280, v13  }
0x48: {  	[tilespmem:v12+s17+$0x0] =	vst.idx.msk $0xffff, v15;
	v12 =	vor.u32 $0x300, v13  }
0x49: {  	s29 =	sand.u32 $0x200, s29;
	[tilespmem:v9+s17+$0x0] =	vst.idx.msk $0xffff, v8;
	v8 =	vor.u32 $0x380, v13  }
0x4a: {  	s29 =	sshrl.u32 s29, $0x2;
	[tilespmem:v16+s17+$0x0] =	vst.idx.msk $0xffff, v10  }
0x4b: {  	s30 =	sand.u32 $0x70, s24;
	s29 =	sadd.s32 s29, s25;
	[tilespmem:v14+s17+$0x0] =	vst.idx.msk $0xffff, v4  }
0x4c: {  	s29 =	sadd.s32 s30, s29;
	[tilespmem:v6+s17+$0x0] =	vst.idx.msk $0xffff, v11  }
0x4d: {  	[tilespmem:v12+s17+$0x0] =	vst.idx.msk $0xffff, v7  }
0x4e: {  	[tilespmem:v8+s17+$0x0] =	vst.idx.msk $0xffff, v3  }
0x4f: {  	v3 =	vld [tilespmem:s29+$0x0];
	_ =	sdelay $0x4  }
0x50: {  	v4 =	vand.u32 $0x7F, v3;
	v6 =	vshll.u32 v3, $0x3;
	v7 =	vshrl.u32 v3, $0x7  }
0x51: {  	v11 =	vshrl.u32 v3, $0xA;
	v3 =	vand.u32 $0x1C00, v6;
	v13 =	vand.u32 $0x1FFFC00, v7  }
0x52: {  	v6 =	vor.u32 v0, v3;
	v3 =	vor.u32 v1, v3;
	v15 =	vadd.s32 v2, v13  }
0x53: {  	v7 =	vor.u32 v4, v6;
	v10 =	vor.u32 v3, v4  }
0x54: {  	v3 =	vor.u32 $0x280, v7;
	v14 =	vor.u32 $0x380, v7;
	v16 =	vor.u32 $0x80, v10  }
0x55: {  	v18 =	vor.u32 $0x300, v7;
	v17 =	vor.u32 $0x180, v10;
	v4 =	vor.u32 $0x200, v10  }
0x56: {  	v8 =	vor.u32 $0x100, v7;
	v19 =	vor.u32 $0x300, v10;
	v12 =	vor.u32 $0x380, v10;
	_ =	sdelay $0x1  }
0x57: {  	v6 =	vld.idx.msk [tilespmem:v10+s13+$0x0], $0xffff  }
0x58: {  	v20 =	vor.u32 $0x100, v10;
	v21 =	vld.idx.msk [tilespmem:v7+s13+$0x0], $0xffff  }
0x59: {  	v22 =	vor.u32 $0x200, v7;
	v9 =	vld.idx.msk [tilespmem:v3+s13+$0x0], $0xffff  }
0x5a: {  	v4 =	vld.idx.msk [tilespmem:v4+s13+$0x0], $0xffff  }
0x5b: {  	v23 =	vld.idx.msk [tilespmem:v8+s13+$0x0], $0xffff  }
0x5c: {  	v24 =	vor.u32 $0x80, v7;
	v3 =	vld.idx.msk [tilespmem:v12+s13+$0x0], $0xffff  }
0x5d: {  	v25 =	vor.u32 $0x180, v7;
	v8 =	vld.idx.msk [tilespmem:v20+s13+$0x0], $0xffff  }
0x5e: {  	v12 =	vld.idx.msk [tilespmem:v22+s13+$0x0], $0xffff  }
0x5f: {  	v20 =	vor.u32 $0x280, v10;
	v7 =	vld.idx.msk [tilespmem:v19+s13+$0x0], $0xffff  }
0x60: {  	v10 =	vld.idx.msk [tilespmem:v17+s13+$0x0], $0xffff  }
0x61: {  	v11 =	vand.u32 $0x7F, v11;
	v13 =	vadd.s32 v5, v13;
	v14 =	vld.idx.msk [tilespmem:v14+s13+$0x0], $0xffff  }
0x62: {  	v13 =	vor.u32 v11, v13;
	v19 =	vld.idx.msk [tilespmem:v24+s13+$0x0], $0xffff;
	v24 =	vor.u32 v11, v15  }
0x63: {  	v17 =	vld.idx.msk [tilespmem:v25+s13+$0x0], $0xffff;
	v25 =	vor.u32 $0x80, v24  }
0x64: {  	v26 =	vor.u32 $0x100, v24;
	v11 =	vld.idx.msk [tilespmem:v20+s13+$0x0], $0xffff  }
.Ltmp0:
0x65: {  	v22 =	vor.u32 $0x180, v24;
	v15 =	vld.idx.msk [tilespmem:v16+s13+$0x0], $0xffff;
	(pc) =	sbr.rel @p0 .LBB2_3-.Ltmp0, $4  }
0x66: {  	v20 =	vor.u32 $0x200, v24;
	v16 =	vld.idx.msk [tilespmem:v18+s13+$0x0], $0xffff  }
0x67: {  	[tilespmem:v24+s17+$0x0] =	vst.idx.msk $0xffff, v21;
	v21 =	vor.u32 $0x280, v24  }
0x68: {  	v18 =	vor.u32 $0x300, v24;
	[tilespmem:v25+s17+$0x0] =	vst.idx.msk $0xffff, v19  }
0x69: {  	v19 =	vor.u32 $0x380, v24;
	[tilespmem:v26+s17+$0x0] =	vst.idx.msk $0xffff, v23  }
0x6a: {  	_ =	sdelay $0x2  }
0x6b: {  	p0 =	sgt.u32 s20, $0x43  }
0x6c: {  	[tilespmem:v22+s17+$0x0] =	vst.idx.msk $0xffff, v17;
	s24 =	sadd.s32 @!p0 $0x4, s20  }
0x6d: {  	v0 =	vor.u32 $0x80, v13;
	[tilespmem:v20+s17+$0x0] =	vst.idx.msk $0xffff, v12;
	s25 =	sand.u32 @!p0 $0xFF, s24  }
0x6e: {  	v1 =	vor.u32 $0x100, v13;
	[tilespmem:v21+s17+$0x0] =	vst.idx.msk $0xffff, v9;
	s25 =	smul.u32 @!p0 $0xAB, s25  }
0x6f: {  	v2 =	vor.u32 $0x180, v13;
	[tilespmem:v18+s17+$0x0] =	vst.idx.msk $0xffff, v16  }
0x70: {  	v5 =	vor.u32 $0x200, v13;
	[tilespmem:v19+s17+$0x0] =	vst.idx.msk $0xffff, v14;
	s25 =	sshrl.u32 @!p0 s25, $0xB  }
0x71: {  	v61 =	vor.u32 $0x280, v13;
	[tilespmem:v13+s17+$0x0] =	vst.idx.msk $0xffff, v6;
	s28 =	smul.u32 @!p0 $0xC, s25  }
0x72: {  	v62 =	vor.u32 $0x300, v13;
	[tilespmem:v0+s17+$0x0] =	vst.idx.msk $0xffff, v15  }
0x73: {  	v63 =	vor.u32 $0x380, v13;
	s25 =	sadd.s32 @!p0 s25, s5;
	[tilespmem:v1+s17+$0x0] =	vst.idx.msk $0xffff, v8;
	s24 =	ssub.s32 @!p0 s24, s28  }
0x74: {  	s25 =	smul.u32 @!p0 $0x30000, s25;
	[tilespmem:v2+s17+$0x0] =	vst.idx.msk $0xffff, v10;
	s24 =	sand.u32 @!p0 $0xFF, s24  }
0x75: {  	[tilespmem:v5+s17+$0x0] =	vst.idx.msk $0xffff, v4;
	s24 =	sshll.u32 @!p0 s24, $0xE  }
0x76: {  	s23 =	sand.u32 $0xFF, s23;
	[tilespmem:v61+s17+$0x0] =	vst.idx.msk $0xffff, v11;
	s24 =	sadd.s32 @!p0 s24, s25  }
0x77: {  	p1 =	sne.s32 s23, $0xB;
	[tilespmem:v62+s17+$0x0] =	vst.idx.msk $0xffff, v7;
	s23 =	sshrl.u32 @!p0 s24, $0x3  }
0x78: {  	s20 =	sadd.s32 $0x1, s20;
	[tilespmem:v63+s17+$0x0] =	vst.idx.msk $0xffff, v3;
	s24 =	simm.s32 @!p0 $0x0;
	s23 =	sadd.s32 @!p0 s2, s23  }
0x79: {  	[tilespmem:s26], [sflag:s22] =	stream.linear.gather @!p0 [hbm4b:s23+s24], $0x4000, $0x38;
	[tilespmem:$0x1C800] =	vst v63  }
0x7a: {  	p0 =	sne.s32 s20, $0x48  }
.Ltmp1:
0x7b: {  	s21 =	sadd.s32 @!p1 s21, s5;
	(pc) =	sbr.rel @p0 .LBB2_2-.Ltmp1, $3  }
0x7c: {  	s21 =	smul.u32 @!p1 $0x1800, s21;
	_ =	sdelay $0x1  }
0x7d: {  	s21 =	sadd.s32 @!p1 s3, s21;
	s22 =	simm.s32 @!p1 $0x0;
	s23 =	simm.s32 @!p1 $0x10800  }
0x7e: {  	[hbm4b:s21+s22] =	stream.linear.scatter @!p1 [tilespmem:s23], [sflag:$0x5], $0xC000, $0x38;
	[tilespmem:$0x1C800] =	vst v63  }
0x7f: {  	s19 =	sadd.s32 $0x1, s19  }
0x80: {  	p0 =	sne.s32 s19, s11  }
.Ltmp2:
0x81: {  	_ = 	snop;
	(pc) =	sbr.rel @p0 .LBB2_1-.Ltmp2, $4  }
0x82: {  	_ = 	snop  }
0x83: {  	_ =	swait.ge [sflag:s18], $0xC000  }
0x84: {  	[sflag:s18] =	ssyncset.done $0x0  }
0x85: {  	[sflag:s18] =	ssyncadd.s32 $0xFFFF4000  }
0x86: {  	_ =	sfence.sel $0x180000  }
0x87: {  	[bflag:$0x0] =	sbarrier.arrive $0xFFFF  }
0x88: {  	p0 =	sne.s32 s1, $0x0;
	_ =	strace $0x90000047  }
0x89: {  	s0 =	sadd.s32 @!p0 $0x100000, s0;
	[bflag:$0x2] =	sbarrier.arrive $0xFFFF  }
0x8a: {  	[sflag:s0] =	ssyncadd.tile.s32 @!p0 $0x1;
	_ =	shalt  }
.Lfunc_end2:
_tile_overlayer_lowered:
.L_overlay_start_2:
0x8b: {  	(tag) =	ssettag $0x2  }
0x8c: {  	s0 =	rddreg [dreg:$0x0];
	s2 =	stileid.u32  }
0x8d: {  	s1 =	rddreg [dreg:$0x1];
	p0 =	sne.s32 s2, $0x0  }
0x8e: {  	s3 =	rddreg [dreg:$0x2];
	[bflag:$0x3] =	sbarrier.arrive $0xFFFF;
	s2 =	simm.s32 @!p0 $0x1C06  }
0x8f: {  	[timem:s3], [sflag:s2] =	dma.local @!p0 [hbm:s0], s1  }
0x90: {  	s0 =	simm.s32 @!p0 $0x6  }
0x91: {  	_ =	swait.ge @!p0 [sflag:s0], s1  }
0x92: {  	s1 =	ssub.s32 @!p0 $0x0, s1;
	[sflag:s0] =	ssyncset.done @!p0 $0x0  }
0x93: {  	[sflag:s0] =	ssyncadd.s32 @!p0 s1  }
0x94: {  	[bflag:$0x3] =	sbarrier.arrive $0xFFFF  }
0x95: {  	_ =	shalt  }

</sc_bundles>
